<compile_context>
chip_gen: v7x
topology: tpu7x:2x2x1
jax: 0.10.2.dev20260603
libtpu: 0.0.44.dev20260713+nightly
codegen_flags: <defaults>
</compile_context>

<pallas_src>
import functools

import jax
import jax.numpy as jnp
from jax import lax
from jax.experimental import pallas as pl
from jax.experimental.pallas import tpu as pltpu
from jax.experimental.pallas import tpu_sc as plsc

VOCAB = 2000
EMBED_DIM = 19
TFLAT = VOCAB * EMBED_DIM
N_IDX = 16384 * 50
NC = 2
NS = 16
NW = NC * NS
PER_W = N_IDX // NW
CHUNK = PER_W // 2
RPS = 128
UNROLL = 8
STEPS = CHUNK // (16 * UNROLL)
INV_N = 1.0 / float(N_IDX * EMBED_DIM)


def _finalize_body(part_ref, out_ref):
    total = jnp.sum(part_ref[...], axis=(0, 1), keepdims=True)
    out_ref[...] = jax.nn.sigmoid(total * INV_N)


def _sc_gather_sum(idx_flat, tab_flat):
    mesh = plsc.VectorSubcoreMesh(core_axis_name="c", subcore_axis_name="s")

    @functools.partial(
        pl.kernel,
        mesh=mesh,
        compiler_params=pltpu.CompilerParams(needs_layout_passes=False),
        out_type=jax.ShapeDtypeStruct((NC, 16), jnp.float32),
        scratch_types=[
            pltpu.VMEM((CHUNK,), jnp.int32),
            pltpu.VMEM((CHUNK,), jnp.int32),
            pltpu.VMEM((EMBED_DIM * RPS,), jnp.float32),
            pltpu.VMEM((RPS,), jnp.float32),
            pltpu.VMEM((NS * RPS,), jnp.float32),
            pltpu.VMEM((16,), jnp.float32),
            pltpu.VMEM((NS, 16), jnp.float32),
            pltpu.VMEM_SHARED((NS * RPS,), jnp.float32),
            pltpu.VMEM_SHARED((NS, 16), jnp.float32),
            pltpu.SemaphoreType.DMA,
            pltpu.SemaphoreType.DMA,
            pltpu.SemaphoreType.DMA,
        ],
    )
    def k(idx_hbm, tab_hbm, out_hbm, idx_a, idx_b, tab_v, rs_local, rs_v,
          stage_v, part_v, sh_rs, sh_part, sem0, sem1, semt):
        cid = lax.axis_index("c")
        sid = lax.axis_index("s")
        wid = sid * NC + cid
        base = wid * PER_W
        bufs = (idx_a, idx_b)
        sems = (sem0, sem1)
        cps = [None, None]
        cps[0] = pltpu.async_copy(
            idx_hbm.at[pl.ds(base, CHUNK)], idx_a, sems[0]
        )

        c0 = sid * RPS
        tcps = [
            pltpu.async_copy(
                tab_hbm.at[pl.ds(d * VOCAB + c0, RPS)],
                tab_v.at[pl.ds(d * RPS, RPS)],
                semt,
            )
            for d in range(EMBED_DIM)
        ]
        for cp in tcps:
            cp.wait()
        for g in range(RPS // 16):
            acc = tab_v[pl.ds(g * 16, 16)]
            for d in range(1, EMBED_DIM):
                acc = acc + tab_v[pl.ds(d * RPS + g * 16, 16)]
            rs_local[pl.ds(g * 16, 16)] = acc
        pltpu.sync_copy(rs_local, sh_rs.at[pl.ds(sid * RPS, RPS)])
        plsc.subcore_barrier()
        pltpu.sync_copy(sh_rs, rs_v)

        accs = tuple(jnp.zeros((16,), jnp.float32) for _ in range(UNROLL))
        for ch in range(2):
            if ch == 0:
                cps[1] = pltpu.async_copy(
                    idx_hbm.at[pl.ds(base + CHUNK, CHUNK)], idx_b, sems[1]
                )
            cps[ch].wait()
            buf = bufs[ch]

            def body(i, carry):
                out = []
                for u in range(UNROLL):
                    iv = buf[pl.ds((i * UNROLL + u) * 16, 16)]
                    out.append(carry[u] + plsc.load_gather(rs_v, [iv]))
                return tuple(out)

            accs = lax.fori_loop(0, STEPS, body, accs)

        tot = accs[0]
        for u in range(1, UNROLL):
            tot = tot + accs[u]
        stage_v[...] = tot
        pltpu.sync_copy(stage_v, sh_part.at[sid])
        plsc.subcore_barrier()

        @pl.when(sid == 0)
        def _():
            pltpu.sync_copy(sh_part, part_v)
            tv = part_v[0]
            for i in range(1, NS):
                tv = tv + part_v[i]
            stage_v[...] = tv
            pltpu.sync_copy(stage_v, out_hbm.at[cid])

    return k(idx_flat, tab_flat)


def kernel(movies, table):
    partials = _sc_gather_sum(
        movies.T.reshape(N_IDX), table.T.reshape(TFLAT)
    )
    out = pl.pallas_call(
        _finalize_body,
        out_shape=jax.ShapeDtypeStruct((1, 1), jnp.float32),
    )(partials)
    return out.reshape(())

# --- scband reference (transcript-rebuilt; emitter-appended) ---
"""Pipeline reference for scband-embedding-sum-46686294507675 (READ-ONLY COPY).

The authoritative reference and input builder live on the scoring server;
editing this copy changes nothing except your own understanding.
"""

import jax, jax.numpy as jnp
import numpy as np

VOCAB = 2000
EMBED_DIM = 19

def setup_inputs(seed: int = 0) -> dict:
    key = jax.random.key(seed)
    k1, k2 = jax.random.split(key)
    movies = jax.random.randint(k1, (16384, 50), 0, VOCAB, dtype=jnp.int64 if jax.config.jax_enable_x64 else jnp.int32).astype(jnp.int32)
    # Embedding table parameter (nn.Embedding default init ~ N(0,1))
    table = jax.random.normal(k2, (VOCAB, EMBED_DIM), dtype=jnp.float32)
    return {"movies": movies, "table": table}

def reference(movies, table):
    # lookup = self.e(movies.long())  -> gather rows of the embedding table
    lookup = jnp.take(table, movies, axis=0)  # [16384, 50, 19]
    # return self.s(lookup.mean())   -> sigmoid of global mean (scalar)
    return jax.nn.sigmoid(jnp.mean(lookup))

if __name__ == "__main__":
    import jax
    _d = setup_inputs()
    print(jax.jit(kernel)(*tuple(_d.values())))

</pallas_src>

<mosaic_0001>
#map = affine_map<(d0, d1) -> (0)>
#map1 = affine_map<(d0, d1) -> (0, 0)>
module attributes {stable_mosaic.version = 14 : i64} {
  func.func @k(%arg0: i32, %arg1: i32, %arg2: memref<819200xi32, #tpu.memory_space<hbm>>, %arg3: memref<38000xf32, #tpu.memory_space<hbm>>, %arg4: memref<2x16xf32, #tpu.memory_space<hbm>>, %arg5: memref<12800xi32, #tpu.memory_space<vmem>>, %arg6: memref<12800xi32, #tpu.memory_space<vmem>>, %arg7: memref<2432xf32, #tpu.memory_space<vmem>>, %arg8: memref<128xf32, #tpu.memory_space<vmem>>, %arg9: memref<2048xf32, #tpu.memory_space<vmem>>, %arg10: memref<16xf32, #tpu.memory_space<vmem>>, %arg11: memref<16x16xf32, #tpu.memory_space<vmem>>, %arg12: memref<2048xf32, #tpu.memory_space<vmem_shared>>, %arg13: memref<16x16xf32, #tpu.memory_space<vmem_shared>>, %arg14: memref<!tpu.dma_semaphore, #tpu.memory_space<semaphore_mem>>, %arg15: memref<!tpu.dma_semaphore, #tpu.memory_space<semaphore_mem>>, %arg16: memref<!tpu.dma_semaphore, #tpu.memory_space<semaphore_mem>>) attributes {dimension_semantics = [#tpu.dimension_semantics<core_parallel>, #tpu.dimension_semantics<subcore_parallel>], iteration_bounds = array<i64: 2, 16>, scalar_prefetch = 0 : i64, scratch_operands = 12 : i64, tpu.core_type = #tpu.core_type<sc_vector_subcore>, window_params = [{transform_indices = #map}, {transform_indices = #map}, {transform_indices = #map1}]} {
    %mul3A = arith.constant 2 : i32
    %mul3A_0 = arith.muli %arg1, %mul3A : i32
    %add3A = arith.addi %mul3A_0, %arg0 : i32
    %mul3A_1 = arith.constant 25600 : i32
    %mul3A_2 = arith.muli %add3A, %mul3A_1 : i32
    %dma_start3A = tpu.memref_slice %arg2[%mul3A_2] : memref<819200xi32, #tpu.memory_space<hbm>> -> memref<12800xi32, #tpu.memory_space<hbm>>
    %dma_start3A_3 = tpu.memref_slice %arg2[%mul3A_2] : memref<819200xi32, #tpu.memory_space<hbm>> -> memref<12800xi32, #tpu.memory_space<hbm>>
    tpu.enqueue_dma source(%dma_start3A_3 : memref<12800xi32, #tpu.memory_space<hbm>>) target(%arg5 : memref<12800xi32, #tpu.memory_space<vmem>>) target_semaphore(%arg14 : memref<!tpu.dma_semaphore, #tpu.memory_space<semaphore_mem>>)
    %mul3A_4 = arith.constant 128 : i32
    %mul3A_5 = arith.muli %arg1, %mul3A_4 : i32
    %add3A_6 = arith.constant 0 : i32
    %add3A_7 = arith.addi %add3A_6, %mul3A_5 : i32
    %dma_start3A_8 = arith.constant 0 : i32
    %dma_start3A_9 = tpu.memref_slice %arg7[%dma_start3A_8] : memref<2432xf32, #tpu.memory_space<vmem>> -> memref<128xf32, #tpu.memory_space<vmem>>
    %dma_start3A_10 = tpu.memref_slice %arg3[%add3A_7] : memref<38000xf32, #tpu.memory_space<hbm>> -> memref<128xf32, #tpu.memory_space<hbm>>
    %dma_start3A_11 = arith.constant 0 : i32
    %dma_start3A_12 = tpu.memref_slice %arg7[%dma_start3A_11] : memref<2432xf32, #tpu.memory_space<vmem>> -> memref<128xf32, #tpu.memory_space<vmem>>
    %dma_start3A_13 = tpu.memref_slice %arg3[%add3A_7] : memref<38000xf32, #tpu.memory_space<hbm>> -> memref<128xf32, #tpu.memory_space<hbm>>
    tpu.enqueue_dma source(%dma_start3A_13 : memref<128xf32, #tpu.memory_space<hbm>>) target(%dma_start3A_12 : memref<128xf32, #tpu.memory_space<vmem>>) target_semaphore(%arg16 : memref<!tpu.dma_semaphore, #tpu.memory_space<semaphore_mem>>)
    %add3A_14 = arith.constant 2000 : i32
    %add3A_15 = arith.addi %add3A_14, %mul3A_5 : i32
    %dma_start3A_16 = arith.constant 128 : i32
    %dma_start3A_17 = tpu.memref_slice %arg7[%dma_start3A_16] : memref<2432xf32, #tpu.memory_space<vmem>> -> memref<128xf32, #tpu.memory_space<vmem>>
    %dma_start3A_18 = tpu.memref_slice %arg3[%add3A_15] : memref<38000xf32, #tpu.memory_space<hbm>> -> memref<128xf32, #tpu.memory_space<hbm>>
    %dma_start3A_19 = arith.constant 128 : i32
    %dma_start3A_20 = tpu.memref_slice %arg7[%dma_start3A_19] : memref<2432xf32, #tpu.memory_space<vmem>> -> memref<128xf32, #tpu.memory_space<vmem>>
    %dma_start3A_21 = tpu.memref_slice %arg3[%add3A_15] : memref<38000xf32, #tpu.memory_space<hbm>> -> memref<128xf32, #tpu.memory_space<hbm>>
    tpu.enqueue_dma source(%dma_start3A_21 : memref<128xf32, #tpu.memory_space<hbm>>) target(%dma_start3A_20 : memref<128xf32, #tpu.memory_space<vmem>>) target_semaphore(%arg16 : memref<!tpu.dma_semaphore, #tpu.memory_space<semaphore_mem>>)
    %add3A_22 = arith.constant 4000 : i32
    %add3A_23 = arith.addi %add3A_22, %mul3A_5 : i32
    %dma_start3A_24 = arith.constant 256 : i32
    %dma_start3A_25 = tpu.memref_slice %arg7[%dma_start3A_24] : memref<2432xf32, #tpu.memory_space<vmem>> -> memref<128xf32, #tpu.memory_space<vmem>>
    %dma_start3A_26 = tpu.memref_slice %arg3[%add3A_23] : memref<38000xf32, #tpu.memory_space<hbm>> -> memref<128xf32, #tpu.memory_space<hbm>>
    %dma_start3A_27 = arith.constant 256 : i32
    %dma_start3A_28 = tpu.memref_slice %arg7[%dma_start3A_27] : memref<2432xf32, #tpu.memory_space<vmem>> -> memref<128xf32, #tpu.memory_space<vmem>>
    %dma_start3A_29 = tpu.memref_slice %arg3[%add3A_23] : memref<38000xf32, #tpu.memory_space<hbm>> -> memref<128xf32, #tpu.memory_space<hbm>>
    tpu.enqueue_dma source(%dma_start3A_29 : memref<128xf32, #tpu.memory_space<hbm>>) target(%dma_start3A_28 : memref<128xf32, #tpu.memory_space<vmem>>) target_semaphore(%arg16 : memref<!tpu.dma_semaphore, #tpu.memory_space<semaphore_mem>>)
    %add3A_30 = arith.constant 6000 : i32
    %add3A_31 = arith.addi %add3A_30, %mul3A_5 : i32
    %dma_start3A_32 = arith.constant 384 : i32
    %dma_start3A_33 = tpu.memref_slice %arg7[%dma_start3A_32] : memref<2432xf32, #tpu.memory_space<vmem>> -> memref<128xf32, #tpu.memory_space<vmem>>
    %dma_start3A_34 = tpu.memref_slice %arg3[%add3A_31] : memref<38000xf32, #tpu.memory_space<hbm>> -> memref<128xf32, #tpu.memory_space<hbm>>
    %dma_start3A_35 = arith.constant 384 : i32
    %dma_start3A_36 = tpu.memref_slice %arg7[%dma_start3A_35] : memref<2432xf32, #tpu.memory_space<vmem>> -> memref<128xf32, #tpu.memory_space<vmem>>
    %dma_start3A_37 = tpu.memref_slice %arg3[%add3A_31] : memref<38000xf32, #tpu.memory_space<hbm>> -> memref<128xf32, #tpu.memory_space<hbm>>
    tpu.enqueue_dma source(%dma_start3A_37 : memref<128xf32, #tpu.memory_space<hbm>>) target(%dma_start3A_36 : memref<128xf32, #tpu.memory_space<vmem>>) target_semaphore(%arg16 : memref<!tpu.dma_semaphore, #tpu.memory_space<semaphore_mem>>)
    %add3A_38 = arith.constant 8000 : i32
    %add3A_39 = arith.addi %add3A_38, %mul3A_5 : i32
    %dma_start3A_40 = arith.constant 512 : i32
    %dma_start3A_41 = tpu.memref_slice %arg7[%dma_start3A_40] : memref<2432xf32, #tpu.memory_space<vmem>> -> memref<128xf32, #tpu.memory_space<vmem>>
    %dma_start3A_42 = tpu.memref_slice %arg3[%add3A_39] : memref<38000xf32, #tpu.memory_space<hbm>> -> memref<128xf32, #tpu.memory_space<hbm>>
    %dma_start3A_43 = arith.constant 512 : i32
    %dma_start3A_44 = tpu.memref_slice %arg7[%dma_start3A_43] : memref<2432xf32, #tpu.memory_space<vmem>> -> memref<128xf32, #tpu.memory_space<vmem>>
    %dma_start3A_45 = tpu.memref_slice %arg3[%add3A_39] : memref<38000xf32, #tpu.memory_space<hbm>> -> memref<128xf32, #tpu.memory_space<hbm>>
    tpu.enqueue_dma source(%dma_start3A_45 : memref<128xf32, #tpu.memory_space<hbm>>) target(%dma_start3A_44 : memref<128xf32, #tpu.memory_space<vmem>>) target_semaphore(%arg16 : memref<!tpu.dma_semaphore, #tpu.memory_space<semaphore_mem>>)
    %add3A_46 = arith.constant 10000 : i32
    %add3A_47 = arith.addi %add3A_46, %mul3A_5 : i32
    %dma_start3A_48 = arith.constant 640 : i32
    %dma_start3A_49 = tpu.memref_slice %arg7[%dma_start3A_48] : memref<2432xf32, #tpu.memory_space<vmem>> -> memref<128xf32, #tpu.memory_space<vmem>>
    %dma_start3A_50 = tpu.memref_slice %arg3[%add3A_47] : memref<38000xf32, #tpu.memory_space<hbm>> -> memref<128xf32, #tpu.memory_space<hbm>>
    %dma_start3A_51 = arith.constant 640 : i32
    %dma_start3A_52 = tpu.memref_slice %arg7[%dma_start3A_51] : memref<2432xf32, #tpu.memory_space<vmem>> -> memref<128xf32, #tpu.memory_space<vmem>>
    %dma_start3A_53 = tpu.memref_slice %arg3[%add3A_47] : memref<38000xf32, #tpu.memory_space<hbm>> -> memref<128xf32, #tpu.memory_space<hbm>>
    tpu.enqueue_dma source(%dma_start3A_53 : memref<128xf32, #tpu.memory_space<hbm>>) target(%dma_start3A_52 : memref<128xf32, #tpu.memory_space<vmem>>) target_semaphore(%arg16 : memref<!tpu.dma_semaphore, #tpu.memory_space<semaphore_mem>>)
    %add3A_54 = arith.constant 12000 : i32
    %add3A_55 = arith.addi %add3A_54, %mul3A_5 : i32
    %dma_start3A_56 = arith.constant 768 : i32
    %dma_start3A_57 = tpu.memref_slice %arg7[%dma_start3A_56] : memref<2432xf32, #tpu.memory_space<vmem>> -> memref<128xf32, #tpu.memory_space<vmem>>
    %dma_start3A_58 = tpu.memref_slice %arg3[%add3A_55] : memref<38000xf32, #tpu.memory_space<hbm>> -> memref<128xf32, #tpu.memory_space<hbm>>
    %dma_start3A_59 = arith.constant 768 : i32
    %dma_start3A_60 = tpu.memref_slice %arg7[%dma_start3A_59] : memref<2432xf32, #tpu.memory_space<vmem>> -> memref<128xf32, #tpu.memory_space<vmem>>
    %dma_start3A_61 = tpu.memref_slice %arg3[%add3A_55] : memref<38000xf32, #tpu.memory_space<hbm>> -> memref<128xf32, #tpu.memory_space<hbm>>
    tpu.enqueue_dma source(%dma_start3A_61 : memref<128xf32, #tpu.memory_space<hbm>>) target(%dma_start3A_60 : memref<128xf32, #tpu.memory_space<vmem>>) target_semaphore(%arg16 : memref<!tpu.dma_semaphore, #tpu.memory_space<semaphore_mem>>)
    %add3A_62 = arith.constant 14000 : i32
    %add3A_63 = arith.addi %add3A_62, %mul3A_5 : i32
    %dma_start3A_64 = arith.constant 896 : i32
    %dma_start3A_65 = tpu.memref_slice %arg7[%dma_start3A_64] : memref<2432xf32, #tpu.memory_space<vmem>> -> memref<128xf32, #tpu.memory_space<vmem>>
    %dma_start3A_66 = tpu.memref_slice %arg3[%add3A_63] : memref<38000xf32, #tpu.memory_space<hbm>> -> memref<128xf32, #tpu.memory_space<hbm>>
    %dma_start3A_67 = arith.constant 896 : i32
    %dma_start3A_68 = tpu.memref_slice %arg7[%dma_start3A_67] : memref<2432xf32, #tpu.memory_space<vmem>> -> memref<128xf32, #tpu.memory_space<vmem>>
    %dma_start3A_69 = tpu.memref_slice %arg3[%add3A_63] : memref<38000xf32, #tpu.memory_space<hbm>> -> memref<128xf32, #tpu.memory_space<hbm>>
    tpu.enqueue_dma source(%dma_start3A_69 : memref<128xf32, #tpu.memory_space<hbm>>) target(%dma_start3A_68 : memref<128xf32, #tpu.memory_space<vmem>>) target_semaphore(%arg16 : memref<!tpu.dma_semaphore, #tpu.memory_space<semaphore_mem>>)
    %add3A_70 = arith.constant 16000 : i32
    %add3A_71 = arith.addi %add3A_70, %mul3A_5 : i32
    %dma_start3A_72 = arith.constant 1024 : i32
    %dma_start3A_73 = tpu.memref_slice %arg7[%dma_start3A_72] : memref<2432xf32, #tpu.memory_space<vmem>> -> memref<128xf32, #tpu.memory_space<vmem>>
    %dma_start3A_74 = tpu.memref_slice %arg3[%add3A_71] : memref<38000xf32, #tpu.memory_space<hbm>> -> memref<128xf32, #tpu.memory_space<hbm>>
    %dma_start3A_75 = arith.constant 1024 : i32
    %dma_start3A_76 = tpu.memref_slice %arg7[%dma_start3A_75] : memref<2432xf32, #tpu.memory_space<vmem>> -> memref<128xf32, #tpu.memory_space<vmem>>
    %dma_start3A_77 = tpu.memref_slice %arg3[%add3A_71] : memref<38000xf32, #tpu.memory_space<hbm>> -> memref<128xf32, #tpu.memory_space<hbm>>
    tpu.enqueue_dma source(%dma_start3A_77 : memref<128xf32, #tpu.memory_space<hbm>>) target(%dma_start3A_76 : memref<128xf32, #tpu.memory_space<vmem>>) target_semaphore(%arg16 : memref<!tpu.dma_semaphore, #tpu.memory_space<semaphore_mem>>)
    %add3A_78 = arith.constant 18000 : i32
    %add3A_79 = arith.addi %add3A_78, %mul3A_5 : i32
    %dma_start3A_80 = arith.constant 1152 : i32
    %dma_start3A_81 = tpu.memref_slice %arg7[%dma_start3A_80] : memref<2432xf32, #tpu.memory_space<vmem>> -> memref<128xf32, #tpu.memory_space<vmem>>
    %dma_start3A_82 = tpu.memref_slice %arg3[%add3A_79] : memref<38000xf32, #tpu.memory_space<hbm>> -> memref<128xf32, #tpu.memory_space<hbm>>
    %dma_start3A_83 = arith.constant 1152 : i32
    %dma_start3A_84 = tpu.memref_slice %arg7[%dma_start3A_83] : memref<2432xf32, #tpu.memory_space<vmem>> -> memref<128xf32, #tpu.memory_space<vmem>>
    %dma_start3A_85 = tpu.memref_slice %arg3[%add3A_79] : memref<38000xf32, #tpu.memory_space<hbm>> -> memref<128xf32, #tpu.memory_space<hbm>>
    tpu.enqueue_dma source(%dma_start3A_85 : memref<128xf32, #tpu.memory_space<hbm>>) target(%dma_start3A_84 : memref<128xf32, #tpu.memory_space<vmem>>) target_semaphore(%arg16 : memref<!tpu.dma_semaphore, #tpu.memory_space<semaphore_mem>>)
    %add3A_86 = arith.constant 20000 : i32
    %add3A_87 = arith.addi %add3A_86, %mul3A_5 : i32
    %dma_start3A_88 = arith.constant 1280 : i32
    %dma_start3A_89 = tpu.memref_slice %arg7[%dma_start3A_88] : memref<2432xf32, #tpu.memory_space<vmem>> -> memref<128xf32, #tpu.memory_space<vmem>>
    %dma_start3A_90 = tpu.memref_slice %arg3[%add3A_87] : memref<38000xf32, #tpu.memory_space<hbm>> -> memref<128xf32, #tpu.memory_space<hbm>>
    %dma_start3A_91 = arith.constant 1280 : i32
    %dma_start3A_92 = tpu.memref_slice %arg7[%dma_start3A_91] : memref<2432xf32, #tpu.memory_space<vmem>> -> memref<128xf32, #tpu.memory_space<vmem>>
    %dma_start3A_93 = tpu.memref_slice %arg3[%add3A_87] : memref<38000xf32, #tpu.memory_space<hbm>> -> memref<128xf32, #tpu.memory_space<hbm>>
    tpu.enqueue_dma source(%dma_start3A_93 : memref<128xf32, #tpu.memory_space<hbm>>) target(%dma_start3A_92 : memref<128xf32, #tpu.memory_space<vmem>>) target_semaphore(%arg16 : memref<!tpu.dma_semaphore, #tpu.memory_space<semaphore_mem>>)
    %add3A_94 = arith.constant 22000 : i32
    %add3A_95 = arith.addi %add3A_94, %mul3A_5 : i32
    %dma_start3A_96 = arith.constant 1408 : i32
    %dma_start3A_97 = tpu.memref_slice %arg7[%dma_start3A_96] : memref<2432xf32, #tpu.memory_space<vmem>> -> memref<128xf32, #tpu.memory_space<vmem>>
    %dma_start3A_98 = tpu.memref_slice %arg3[%add3A_95] : memref<38000xf32, #tpu.memory_space<hbm>> -> memref<128xf32, #tpu.memory_space<hbm>>
    %dma_start3A_99 = arith.constant 1408 : i32
    %dma_start3A_100 = tpu.memref_slice %arg7[%dma_start3A_99] : memref<2432xf32, #tpu.memory_space<vmem>> -> memref<128xf32, #tpu.memory_space<vmem>>
    %dma_start3A_101 = tpu.memref_slice %arg3[%add3A_95] : memref<38000xf32, #tpu.memory_space<hbm>> -> memref<128xf32, #tpu.memory_space<hbm>>
    tpu.enqueue_dma source(%dma_start3A_101 : memref<128xf32, #tpu.memory_space<hbm>>) target(%dma_start3A_100 : memref<128xf32, #tpu.memory_space<vmem>>) target_semaphore(%arg16 : memref<!tpu.dma_semaphore, #tpu.memory_space<semaphore_mem>>)
    %add3A_102 = arith.constant 24000 : i32
    %add3A_103 = arith.addi %add3A_102, %mul3A_5 : i32
    %dma_start3A_104 = arith.constant 1536 : i32
    %dma_start3A_105 = tpu.memref_slice %arg7[%dma_start3A_104] : memref<2432xf32, #tpu.memory_space<vmem>> -> memref<128xf32, #tpu.memory_space<vmem>>
    %dma_start3A_106 = tpu.memref_slice %arg3[%add3A_103] : memref<38000xf32, #tpu.memory_space<hbm>> -> memref<128xf32, #tpu.memory_space<hbm>>
    %dma_start3A_107 = arith.constant 1536 : i32
    %dma_start3A_108 = tpu.memref_slice %arg7[%dma_start3A_107] : memref<2432xf32, #tpu.memory_space<vmem>> -> memref<128xf32, #tpu.memory_space<vmem>>
    %dma_start3A_109 = tpu.memref_slice %arg3[%add3A_103] : memref<38000xf32, #tpu.memory_space<hbm>> -> memref<128xf32, #tpu.memory_space<hbm>>
    tpu.enqueue_dma source(%dma_start3A_109 : memref<128xf32, #tpu.memory_space<hbm>>) target(%dma_start3A_108 : memref<128xf32, #tpu.memory_space<vmem>>) target_semaphore(%arg16 : memref<!tpu.dma_semaphore, #tpu.memory_space<semaphore_mem>>)
    %add3A_110 = arith.constant 26000 : i32
    %add3A_111 = arith.addi %add3A_110, %mul3A_5 : i32
    %dma_start3A_112 = arith.constant 1664 : i32
    %dma_start3A_113 = tpu.memref_slice %arg7[%dma_start3A_112] : memref<2432xf32, #tpu.memory_space<vmem>> -> memref<128xf32, #tpu.memory_space<vmem>>
    %dma_start3A_114 = tpu.memref_slice %arg3[%add3A_111] : memref<38000xf32, #tpu.memory_space<hbm>> -> memref<128xf32, #tpu.memory_space<hbm>>
    %dma_start3A_115 = arith.constant 1664 : i32
    %dma_start3A_116 = tpu.memref_slice %arg7[%dma_start3A_115] : memref<2432xf32, #tpu.memory_space<vmem>> -> memref<128xf32, #tpu.memory_space<vmem>>
    %dma_start3A_117 = tpu.memref_slice %arg3[%add3A_111] : memref<38000xf32, #tpu.memory_space<hbm>> -> memref<128xf32, #tpu.memory_space<hbm>>
    tpu.enqueue_dma source(%dma_start3A_117 : memref<128xf32, #tpu.memory_space<hbm>>) target(%dma_start3A_116 : memref<128xf32, #tpu.memory_space<vmem>>) target_semaphore(%arg16 : memref<!tpu.dma_semaphore, #tpu.memory_space<semaphore_mem>>)
    %add3A_118 = arith.constant 28000 : i32
    %add3A_119 = arith.addi %add3A_118, %mul3A_5 : i32
    %dma_start3A_120 = arith.constant 1792 : i32
    %dma_start3A_121 = tpu.memref_slice %arg7[%dma_start3A_120] : memref<2432xf32, #tpu.memory_space<vmem>> -> memref<128xf32, #tpu.memory_space<vmem>>
    %dma_start3A_122 = tpu.memref_slice %arg3[%add3A_119] : memref<38000xf32, #tpu.memory_space<hbm>> -> memref<128xf32, #tpu.memory_space<hbm>>
    %dma_start3A_123 = arith.constant 1792 : i32
    %dma_start3A_124 = tpu.memref_slice %arg7[%dma_start3A_123] : memref<2432xf32, #tpu.memory_space<vmem>> -> memref<128xf32, #tpu.memory_space<vmem>>
    %dma_start3A_125 = tpu.memref_slice %arg3[%add3A_119] : memref<38000xf32, #tpu.memory_space<hbm>> -> memref<128xf32, #tpu.memory_space<hbm>>
    tpu.enqueue_dma source(%dma_start3A_125 : memref<128xf32, #tpu.memory_space<hbm>>) target(%dma_start3A_124 : memref<128xf32, #tpu.memory_space<vmem>>) target_semaphore(%arg16 : memref<!tpu.dma_semaphore, #tpu.memory_space<semaphore_mem>>)
    %add3A_126 = arith.constant 30000 : i32
    %add3A_127 = arith.addi %add3A_126, %mul3A_5 : i32
    %dma_start3A_128 = arith.constant 1920 : i32
    %dma_start3A_129 = tpu.memref_slice %arg7[%dma_start3A_128] : memref<2432xf32, #tpu.memory_space<vmem>> -> memref<128xf32, #tpu.memory_space<vmem>>
    %dma_start3A_130 = tpu.memref_slice %arg3[%add3A_127] : memref<38000xf32, #tpu.memory_space<hbm>> -> memref<128xf32, #tpu.memory_space<hbm>>
    %dma_start3A_131 = arith.constant 1920 : i32
    %dma_start3A_132 = tpu.memref_slice %arg7[%dma_start3A_131] : memref<2432xf32, #tpu.memory_space<vmem>> -> memref<128xf32, #tpu.memory_space<vmem>>
    %dma_start3A_133 = tpu.memref_slice %arg3[%add3A_127] : memref<38000xf32, #tpu.memory_space<hbm>> -> memref<128xf32, #tpu.memory_space<hbm>>
    tpu.enqueue_dma source(%dma_start3A_133 : memref<128xf32, #tpu.memory_space<hbm>>) target(%dma_start3A_132 : memref<128xf32, #tpu.memory_space<vmem>>) target_semaphore(%arg16 : memref<!tpu.dma_semaphore, #tpu.memory_space<semaphore_mem>>)
    %add3A_134 = arith.constant 32000 : i32
    %add3A_135 = arith.addi %add3A_134, %mul3A_5 : i32
    %dma_start3A_136 = arith.constant 2048 : i32
    %dma_start3A_137 = tpu.memref_slice %arg7[%dma_start3A_136] : memref<2432xf32, #tpu.memory_space<vmem>> -> memref<128xf32, #tpu.memory_space<vmem>>
    %dma_start3A_138 = tpu.memref_slice %arg3[%add3A_135] : memref<38000xf32, #tpu.memory_space<hbm>> -> memref<128xf32, #tpu.memory_space<hbm>>
    %dma_start3A_139 = arith.constant 2048 : i32
    %dma_start3A_140 = tpu.memref_slice %arg7[%dma_start3A_139] : memref<2432xf32, #tpu.memory_space<vmem>> -> memref<128xf32, #tpu.memory_space<vmem>>
    %dma_start3A_141 = tpu.memref_slice %arg3[%add3A_135] : memref<38000xf32, #tpu.memory_space<hbm>> -> memref<128xf32, #tpu.memory_space<hbm>>
    tpu.enqueue_dma source(%dma_start3A_141 : memref<128xf32, #tpu.memory_space<hbm>>) target(%dma_start3A_140 : memref<128xf32, #tpu.memory_space<vmem>>) target_semaphore(%arg16 : memref<!tpu.dma_semaphore, #tpu.memory_space<semaphore_mem>>)
    %add3A_142 = arith.constant 34000 : i32
    %add3A_143 = arith.addi %add3A_142, %mul3A_5 : i32
    %dma_start3A_144 = arith.constant 2176 : i32
    %dma_start3A_145 = tpu.memref_slice %arg7[%dma_start3A_144] : memref<2432xf32, #tpu.memory_space<vmem>> -> memref<128xf32, #tpu.memory_space<vmem>>
    %dma_start3A_146 = tpu.memref_slice %arg3[%add3A_143] : memref<38000xf32, #tpu.memory_space<hbm>> -> memref<128xf32, #tpu.memory_space<hbm>>
    %dma_start3A_147 = arith.constant 2176 : i32
    %dma_start3A_148 = tpu.memref_slice %arg7[%dma_start3A_147] : memref<2432xf32, #tpu.memory_space<vmem>> -> memref<128xf32, #tpu.memory_space<vmem>>
    %dma_start3A_149 = tpu.memref_slice %arg3[%add3A_143] : memref<38000xf32, #tpu.memory_space<hbm>> -> memref<128xf32, #tpu.memory_space<hbm>>
    tpu.enqueue_dma source(%dma_start3A_149 : memref<128xf32, #tpu.memory_space<hbm>>) target(%dma_start3A_148 : memref<128xf32, #tpu.memory_space<vmem>>) target_semaphore(%arg16 : memref<!tpu.dma_semaphore, #tpu.memory_space<semaphore_mem>>)
    %add3A_150 = arith.constant 36000 : i32
    %add3A_151 = arith.addi %add3A_150, %mul3A_5 : i32
    %dma_start3A_152 = arith.constant 2304 : i32
    %dma_start3A_153 = tpu.memref_slice %arg7[%dma_start3A_152] : memref<2432xf32, #tpu.memory_space<vmem>> -> memref<128xf32, #tpu.memory_space<vmem>>
    %dma_start3A_154 = tpu.memref_slice %arg3[%add3A_151] : memref<38000xf32, #tpu.memory_space<hbm>> -> memref<128xf32, #tpu.memory_space<hbm>>
    %dma_start3A_155 = arith.constant 2304 : i32
    %dma_start3A_156 = tpu.memref_slice %arg7[%dma_start3A_155] : memref<2432xf32, #tpu.memory_space<vmem>> -> memref<128xf32, #tpu.memory_space<vmem>>
    %dma_start3A_157 = tpu.memref_slice %arg3[%add3A_151] : memref<38000xf32, #tpu.memory_space<hbm>> -> memref<128xf32, #tpu.memory_space<hbm>>
    tpu.enqueue_dma source(%dma_start3A_157 : memref<128xf32, #tpu.memory_space<hbm>>) target(%dma_start3A_156 : memref<128xf32, #tpu.memory_space<vmem>>) target_semaphore(%arg16 : memref<!tpu.dma_semaphore, #tpu.memory_space<semaphore_mem>>)
    %dma_wait3A = arith.constant 0 : i32
    %dma_wait3A_158 = tpu.memref_slice %arg7[%dma_wait3A] : memref<2432xf32, #tpu.memory_space<vmem>> -> memref<128xf32, #tpu.memory_space<vmem>>
    %dma_wait3A_159 = tpu.memref_slice %arg3[%add3A_7] : memref<38000xf32, #tpu.memory_space<hbm>> -> memref<128xf32, #tpu.memory_space<hbm>>
    %dma_wait3A_160 = arith.constant 0 : i32
    %dma_wait3A_161 = tpu.memref_slice %arg7[%dma_wait3A_160] : memref<2432xf32, #tpu.memory_space<vmem>> -> memref<128xf32, #tpu.memory_space<vmem>>
    %dma_wait3A_162 = tpu.memref_slice %arg3[%add3A_7] : memref<38000xf32, #tpu.memory_space<hbm>> -> memref<128xf32, #tpu.memory_space<hbm>>
    tpu.wait_dma2 semaphore(%arg16 : memref<!tpu.dma_semaphore, #tpu.memory_space<semaphore_mem>>) src(%dma_wait3A_162 : memref<128xf32, #tpu.memory_space<hbm>>) dst(%dma_wait3A_161 : memref<128xf32, #tpu.memory_space<vmem>>)
    %dma_wait3A_163 = arith.constant 128 : i32
    %dma_wait3A_164 = tpu.memref_slice %arg7[%dma_wait3A_163] : memref<2432xf32, #tpu.memory_space<vmem>> -> memref<128xf32, #tpu.memory_space<vmem>>
    %dma_wait3A_165 = tpu.memref_slice %arg3[%add3A_15] : memref<38000xf32, #tpu.memory_space<hbm>> -> memref<128xf32, #tpu.memory_space<hbm>>
    %dma_wait3A_166 = arith.constant 128 : i32
    %dma_wait3A_167 = tpu.memref_slice %arg7[%dma_wait3A_166] : memref<2432xf32, #tpu.memory_space<vmem>> -> memref<128xf32, #tpu.memory_space<vmem>>
    %dma_wait3A_168 = tpu.memref_slice %arg3[%add3A_15] : memref<38000xf32, #tpu.memory_space<hbm>> -> memref<128xf32, #tpu.memory_space<hbm>>
    tpu.wait_dma2 semaphore(%arg16 : memref<!tpu.dma_semaphore, #tpu.memory_space<semaphore_mem>>) src(%dma_wait3A_168 : memref<128xf32, #tpu.memory_space<hbm>>) dst(%dma_wait3A_167 : memref<128xf32, #tpu.memory_space<vmem>>)
    %dma_wait3A_169 = arith.constant 256 : i32
    %dma_wait3A_170 = tpu.memref_slice %arg7[%dma_wait3A_169] : memref<2432xf32, #tpu.memory_space<vmem>> -> memref<128xf32, #tpu.memory_space<vmem>>
    %dma_wait3A_171 = tpu.memref_slice %arg3[%add3A_23] : memref<38000xf32, #tpu.memory_space<hbm>> -> memref<128xf32, #tpu.memory_space<hbm>>
    %dma_wait3A_172 = arith.constant 256 : i32
    %dma_wait3A_173 = tpu.memref_slice %arg7[%dma_wait3A_172] : memref<2432xf32, #tpu.memory_space<vmem>> -> memref<128xf32, #tpu.memory_space<vmem>>
    %dma_wait3A_174 = tpu.memref_slice %arg3[%add3A_23] : memref<38000xf32, #tpu.memory_space<hbm>> -> memref<128xf32, #tpu.memory_space<hbm>>
    tpu.wait_dma2 semaphore(%arg16 : memref<!tpu.dma_semaphore, #tpu.memory_space<semaphore_mem>>) src(%dma_wait3A_174 : memref<128xf32, #tpu.memory_space<hbm>>) dst(%dma_wait3A_173 : memref<128xf32, #tpu.memory_space<vmem>>)
    %dma_wait3A_175 = arith.constant 384 : i32
    %dma_wait3A_176 = tpu.memref_slice %arg7[%dma_wait3A_175] : memref<2432xf32, #tpu.memory_space<vmem>> -> memref<128xf32, #tpu.memory_space<vmem>>
    %dma_wait3A_177 = tpu.memref_slice %arg3[%add3A_31] : memref<38000xf32, #tpu.memory_space<hbm>> -> memref<128xf32, #tpu.memory_space<hbm>>
    %dma_wait3A_178 = arith.constant 384 : i32
    %dma_wait3A_179 = tpu.memref_slice %arg7[%dma_wait3A_178] : memref<2432xf32, #tpu.memory_space<vmem>> -> memref<128xf32, #tpu.memory_space<vmem>>
    %dma_wait3A_180 = tpu.memref_slice %arg3[%add3A_31] : memref<38000xf32, #tpu.memory_space<hbm>> -> memref<128xf32, #tpu.memory_space<hbm>>
    tpu.wait_dma2 semaphore(%arg16 : memref<!tpu.dma_semaphore, #tpu.memory_space<semaphore_mem>>) src(%dma_wait3A_180 : memref<128xf32, #tpu.memory_space<hbm>>) dst(%dma_wait3A_179 : memref<128xf32, #tpu.memory_space<vmem>>)
    %dma_wait3A_181 = arith.constant 512 : i32
    %dma_wait3A_182 = tpu.memref_slice %arg7[%dma_wait3A_181] : memref<2432xf32, #tpu.memory_space<vmem>> -> memref<128xf32, #tpu.memory_space<vmem>>
    %dma_wait3A_183 = tpu.memref_slice %arg3[%add3A_39] : memref<38000xf32, #tpu.memory_space<hbm>> -> memref<128xf32, #tpu.memory_space<hbm>>
    %dma_wait3A_184 = arith.constant 512 : i32
    %dma_wait3A_185 = tpu.memref_slice %arg7[%dma_wait3A_184] : memref<2432xf32, #tpu.memory_space<vmem>> -> memref<128xf32, #tpu.memory_space<vmem>>
    %dma_wait3A_186 = tpu.memref_slice %arg3[%add3A_39] : memref<38000xf32, #tpu.memory_space<hbm>> -> memref<128xf32, #tpu.memory_space<hbm>>
    tpu.wait_dma2 semaphore(%arg16 : memref<!tpu.dma_semaphore, #tpu.memory_space<semaphore_mem>>) src(%dma_wait3A_186 : memref<128xf32, #tpu.memory_space<hbm>>) dst(%dma_wait3A_185 : memref<128xf32, #tpu.memory_space<vmem>>)
    %dma_wait3A_187 = arith.constant 640 : i32
    %dma_wait3A_188 = tpu.memref_slice %arg7[%dma_wait3A_187] : memref<2432xf32, #tpu.memory_space<vmem>> -> memref<128xf32, #tpu.memory_space<vmem>>
    %dma_wait3A_189 = tpu.memref_slice %arg3[%add3A_47] : memref<38000xf32, #tpu.memory_space<hbm>> -> memref<128xf32, #tpu.memory_space<hbm>>
    %dma_wait3A_190 = arith.constant 640 : i32
    %dma_wait3A_191 = tpu.memref_slice %arg7[%dma_wait3A_190] : memref<2432xf32, #tpu.memory_space<vmem>> -> memref<128xf32, #tpu.memory_space<vmem>>
    %dma_wait3A_192 = tpu.memref_slice %arg3[%add3A_47] : memref<38000xf32, #tpu.memory_space<hbm>> -> memref<128xf32, #tpu.memory_space<hbm>>
    tpu.wait_dma2 semaphore(%arg16 : memref<!tpu.dma_semaphore, #tpu.memory_space<semaphore_mem>>) src(%dma_wait3A_192 : memref<128xf32, #tpu.memory_space<hbm>>) dst(%dma_wait3A_191 : memref<128xf32, #tpu.memory_space<vmem>>)
    %dma_wait3A_193 = arith.constant 768 : i32
    %dma_wait3A_194 = tpu.memref_slice %arg7[%dma_wait3A_193] : memref<2432xf32, #tpu.memory_space<vmem>> -> memref<128xf32, #tpu.memory_space<vmem>>
    %dma_wait3A_195 = tpu.memref_slice %arg3[%add3A_55] : memref<38000xf32, #tpu.memory_space<hbm>> -> memref<128xf32, #tpu.memory_space<hbm>>
    %dma_wait3A_196 = arith.constant 768 : i32
    %dma_wait3A_197 = tpu.memref_slice %arg7[%dma_wait3A_196] : memref<2432xf32, #tpu.memory_space<vmem>> -> memref<128xf32, #tpu.memory_space<vmem>>
    %dma_wait3A_198 = tpu.memref_slice %arg3[%add3A_55] : memref<38000xf32, #tpu.memory_space<hbm>> -> memref<128xf32, #tpu.memory_space<hbm>>
    tpu.wait_dma2 semaphore(%arg16 : memref<!tpu.dma_semaphore, #tpu.memory_space<semaphore_mem>>) src(%dma_wait3A_198 : memref<128xf32, #tpu.memory_space<hbm>>) dst(%dma_wait3A_197 : memref<128xf32, #tpu.memory_space<vmem>>)
    %dma_wait3A_199 = arith.constant 896 : i32
    %dma_wait3A_200 = tpu.memref_slice %arg7[%dma_wait3A_199] : memref<2432xf32, #tpu.memory_space<vmem>> -> memref<128xf32, #tpu.memory_space<vmem>>
    %dma_wait3A_201 = tpu.memref_slice %arg3[%add3A_63] : memref<38000xf32, #tpu.memory_space<hbm>> -> memref<128xf32, #tpu.memory_space<hbm>>
    %dma_wait3A_202 = arith.constant 896 : i32
    %dma_wait3A_203 = tpu.memref_slice %arg7[%dma_wait3A_202] : memref<2432xf32, #tpu.memory_space<vmem>> -> memref<128xf32, #tpu.memory_space<vmem>>
    %dma_wait3A_204 = tpu.memref_slice %arg3[%add3A_63] : memref<38000xf32, #tpu.memory_space<hbm>> -> memref<128xf32, #tpu.memory_space<hbm>>
    tpu.wait_dma2 semaphore(%arg16 : memref<!tpu.dma_semaphore, #tpu.memory_space<semaphore_mem>>) src(%dma_wait3A_204 : memref<128xf32, #tpu.memory_space<hbm>>) dst(%dma_wait3A_203 : memref<128xf32, #tpu.memory_space<vmem>>)
    %dma_wait3A_205 = arith.constant 1024 : i32
    %dma_wait3A_206 = tpu.memref_slice %arg7[%dma_wait3A_205] : memref<2432xf32, #tpu.memory_space<vmem>> -> memref<128xf32, #tpu.memory_space<vmem>>
    %dma_wait3A_207 = tpu.memref_slice %arg3[%add3A_71] : memref<38000xf32, #tpu.memory_space<hbm>> -> memref<128xf32, #tpu.memory_space<hbm>>
    %dma_wait3A_208 = arith.constant 1024 : i32
    %dma_wait3A_209 = tpu.memref_slice %arg7[%dma_wait3A_208] : memref<2432xf32, #tpu.memory_space<vmem>> -> memref<128xf32, #tpu.memory_space<vmem>>
    %dma_wait3A_210 = tpu.memref_slice %arg3[%add3A_71] : memref<38000xf32, #tpu.memory_space<hbm>> -> memref<128xf32, #tpu.memory_space<hbm>>
    tpu.wait_dma2 semaphore(%arg16 : memref<!tpu.dma_semaphore, #tpu.memory_space<semaphore_mem>>) src(%dma_wait3A_210 : memref<128xf32, #tpu.memory_space<hbm>>) dst(%dma_wait3A_209 : memref<128xf32, #tpu.memory_space<vmem>>)
    %dma_wait3A_211 = arith.constant 1152 : i32
    %dma_wait3A_212 = tpu.memref_slice %arg7[%dma_wait3A_211] : memref<2432xf32, #tpu.memory_space<vmem>> -> memref<128xf32, #tpu.memory_space<vmem>>
    %dma_wait3A_213 = tpu.memref_slice %arg3[%add3A_79] : memref<38000xf32, #tpu.memory_space<hbm>> -> memref<128xf32, #tpu.memory_space<hbm>>
    %dma_wait3A_214 = arith.constant 1152 : i32
    %dma_wait3A_215 = tpu.memref_slice %arg7[%dma_wait3A_214] : memref<2432xf32, #tpu.memory_space<vmem>> -> memref<128xf32, #tpu.memory_space<vmem>>
    %dma_wait3A_216 = tpu.memref_slice %arg3[%add3A_79] : memref<38000xf32, #tpu.memory_space<hbm>> -> memref<128xf32, #tpu.memory_space<hbm>>
    tpu.wait_dma2 semaphore(%arg16 : memref<!tpu.dma_semaphore, #tpu.memory_space<semaphore_mem>>) src(%dma_wait3A_216 : memref<128xf32, #tpu.memory_space<hbm>>) dst(%dma_wait3A_215 : memref<128xf32, #tpu.memory_space<vmem>>)
    %dma_wait3A_217 = arith.constant 1280 : i32
    %dma_wait3A_218 = tpu.memref_slice %arg7[%dma_wait3A_217] : memref<2432xf32, #tpu.memory_space<vmem>> -> memref<128xf32, #tpu.memory_space<vmem>>
    %dma_wait3A_219 = tpu.memref_slice %arg3[%add3A_87] : memref<38000xf32, #tpu.memory_space<hbm>> -> memref<128xf32, #tpu.memory_space<hbm>>
    %dma_wait3A_220 = arith.constant 1280 : i32
    %dma_wait3A_221 = tpu.memref_slice %arg7[%dma_wait3A_220] : memref<2432xf32, #tpu.memory_space<vmem>> -> memref<128xf32, #tpu.memory_space<vmem>>
    %dma_wait3A_222 = tpu.memref_slice %arg3[%add3A_87] : memref<38000xf32, #tpu.memory_space<hbm>> -> memref<128xf32, #tpu.memory_space<hbm>>
    tpu.wait_dma2 semaphore(%arg16 : memref<!tpu.dma_semaphore, #tpu.memory_space<semaphore_mem>>) src(%dma_wait3A_222 : memref<128xf32, #tpu.memory_space<hbm>>) dst(%dma_wait3A_221 : memref<128xf32, #tpu.memory_space<vmem>>)
    %dma_wait3A_223 = arith.constant 1408 : i32
    %dma_wait3A_224 = tpu.memref_slice %arg7[%dma_wait3A_223] : memref<2432xf32, #tpu.memory_space<vmem>> -> memref<128xf32, #tpu.memory_space<vmem>>
    %dma_wait3A_225 = tpu.memref_slice %arg3[%add3A_95] : memref<38000xf32, #tpu.memory_space<hbm>> -> memref<128xf32, #tpu.memory_space<hbm>>
    %dma_wait3A_226 = arith.constant 1408 : i32
    %dma_wait3A_227 = tpu.memref_slice %arg7[%dma_wait3A_226] : memref<2432xf32, #tpu.memory_space<vmem>> -> memref<128xf32, #tpu.memory_space<vmem>>
    %dma_wait3A_228 = tpu.memref_slice %arg3[%add3A_95] : memref<38000xf32, #tpu.memory_space<hbm>> -> memref<128xf32, #tpu.memory_space<hbm>>
    tpu.wait_dma2 semaphore(%arg16 : memref<!tpu.dma_semaphore, #tpu.memory_space<semaphore_mem>>) src(%dma_wait3A_228 : memref<128xf32, #tpu.memory_space<hbm>>) dst(%dma_wait3A_227 : memref<128xf32, #tpu.memory_space<vmem>>)
    %dma_wait3A_229 = arith.constant 1536 : i32
    %dma_wait3A_230 = tpu.memref_slice %arg7[%dma_wait3A_229] : memref<2432xf32, #tpu.memory_space<vmem>> -> memref<128xf32, #tpu.memory_space<vmem>>
    %dma_wait3A_231 = tpu.memref_slice %arg3[%add3A_103] : memref<38000xf32, #tpu.memory_space<hbm>> -> memref<128xf32, #tpu.memory_space<hbm>>
    %dma_wait3A_232 = arith.constant 1536 : i32
    %dma_wait3A_233 = tpu.memref_slice %arg7[%dma_wait3A_232] : memref<2432xf32, #tpu.memory_space<vmem>> -> memref<128xf32, #tpu.memory_space<vmem>>
    %dma_wait3A_234 = tpu.memref_slice %arg3[%add3A_103] : memref<38000xf32, #tpu.memory_space<hbm>> -> memref<128xf32, #tpu.memory_space<hbm>>
    tpu.wait_dma2 semaphore(%arg16 : memref<!tpu.dma_semaphore, #tpu.memory_space<semaphore_mem>>) src(%dma_wait3A_234 : memref<128xf32, #tpu.memory_space<hbm>>) dst(%dma_wait3A_233 : memref<128xf32, #tpu.memory_space<vmem>>)
    %dma_wait3A_235 = arith.constant 1664 : i32
    %dma_wait3A_236 = tpu.memref_slice %arg7[%dma_wait3A_235] : memref<2432xf32, #tpu.memory_space<vmem>> -> memref<128xf32, #tpu.memory_space<vmem>>
    %dma_wait3A_237 = tpu.memref_slice %arg3[%add3A_111] : memref<38000xf32, #tpu.memory_space<hbm>> -> memref<128xf32, #tpu.memory_space<hbm>>
    %dma_wait3A_238 = arith.constant 1664 : i32
    %dma_wait3A_239 = tpu.memref_slice %arg7[%dma_wait3A_238] : memref<2432xf32, #tpu.memory_space<vmem>> -> memref<128xf32, #tpu.memory_space<vmem>>
    %dma_wait3A_240 = tpu.memref_slice %arg3[%add3A_111] : memref<38000xf32, #tpu.memory_space<hbm>> -> memref<128xf32, #tpu.memory_space<hbm>>
    tpu.wait_dma2 semaphore(%arg16 : memref<!tpu.dma_semaphore, #tpu.memory_space<semaphore_mem>>) src(%dma_wait3A_240 : memref<128xf32, #tpu.memory_space<hbm>>) dst(%dma_wait3A_239 : memref<128xf32, #tpu.memory_space<vmem>>)
    %dma_wait3A_241 = arith.constant 1792 : i32
    %dma_wait3A_242 = tpu.memref_slice %arg7[%dma_wait3A_241] : memref<2432xf32, #tpu.memory_space<vmem>> -> memref<128xf32, #tpu.memory_space<vmem>>
    %dma_wait3A_243 = tpu.memref_slice %arg3[%add3A_119] : memref<38000xf32, #tpu.memory_space<hbm>> -> memref<128xf32, #tpu.memory_space<hbm>>
    %dma_wait3A_244 = arith.constant 1792 : i32
    %dma_wait3A_245 = tpu.memref_slice %arg7[%dma_wait3A_244] : memref<2432xf32, #tpu.memory_space<vmem>> -> memref<128xf32, #tpu.memory_space<vmem>>
    %dma_wait3A_246 = tpu.memref_slice %arg3[%add3A_119] : memref<38000xf32, #tpu.memory_space<hbm>> -> memref<128xf32, #tpu.memory_space<hbm>>
    tpu.wait_dma2 semaphore(%arg16 : memref<!tpu.dma_semaphore, #tpu.memory_space<semaphore_mem>>) src(%dma_wait3A_246 : memref<128xf32, #tpu.memory_space<hbm>>) dst(%dma_wait3A_245 : memref<128xf32, #tpu.memory_space<vmem>>)
    %dma_wait3A_247 = arith.constant 1920 : i32
    %dma_wait3A_248 = tpu.memref_slice %arg7[%dma_wait3A_247] : memref<2432xf32, #tpu.memory_space<vmem>> -> memref<128xf32, #tpu.memory_space<vmem>>
    %dma_wait3A_249 = tpu.memref_slice %arg3[%add3A_127] : memref<38000xf32, #tpu.memory_space<hbm>> -> memref<128xf32, #tpu.memory_space<hbm>>
    %dma_wait3A_250 = arith.constant 1920 : i32
    %dma_wait3A_251 = tpu.memref_slice %arg7[%dma_wait3A_250] : memref<2432xf32, #tpu.memory_space<vmem>> -> memref<128xf32, #tpu.memory_space<vmem>>
    %dma_wait3A_252 = tpu.memref_slice %arg3[%add3A_127] : memref<38000xf32, #tpu.memory_space<hbm>> -> memref<128xf32, #tpu.memory_space<hbm>>
    tpu.wait_dma2 semaphore(%arg16 : memref<!tpu.dma_semaphore, #tpu.memory_space<semaphore_mem>>) src(%dma_wait3A_252 : memref<128xf32, #tpu.memory_space<hbm>>) dst(%dma_wait3A_251 : memref<128xf32, #tpu.memory_space<vmem>>)
    %dma_wait3A_253 = arith.constant 2048 : i32
    %dma_wait3A_254 = tpu.memref_slice %arg7[%dma_wait3A_253] : memref<2432xf32, #tpu.memory_space<vmem>> -> memref<128xf32, #tpu.memory_space<vmem>>
    %dma_wait3A_255 = tpu.memref_slice %arg3[%add3A_135] : memref<38000xf32, #tpu.memory_space<hbm>> -> memref<128xf32, #tpu.memory_space<hbm>>
    %dma_wait3A_256 = arith.constant 2048 : i32
    %dma_wait3A_257 = tpu.memref_slice %arg7[%dma_wait3A_256] : memref<2432xf32, #tpu.memory_space<vmem>> -> memref<128xf32, #tpu.memory_space<vmem>>
    %dma_wait3A_258 = tpu.memref_slice %arg3[%add3A_135] : memref<38000xf32, #tpu.memory_space<hbm>> -> memref<128xf32, #tpu.memory_space<hbm>>
    tpu.wait_dma2 semaphore(%arg16 : memref<!tpu.dma_semaphore, #tpu.memory_space<semaphore_mem>>) src(%dma_wait3A_258 : memref<128xf32, #tpu.memory_space<hbm>>) dst(%dma_wait3A_257 : memref<128xf32, #tpu.memory_space<vmem>>)
    %dma_wait3A_259 = arith.constant 2176 : i32
    %dma_wait3A_260 = tpu.memref_slice %arg7[%dma_wait3A_259] : memref<2432xf32, #tpu.memory_space<vmem>> -> memref<128xf32, #tpu.memory_space<vmem>>
    %dma_wait3A_261 = tpu.memref_slice %arg3[%add3A_143] : memref<38000xf32, #tpu.memory_space<hbm>> -> memref<128xf32, #tpu.memory_space<hbm>>
    %dma_wait3A_262 = arith.constant 2176 : i32
    %dma_wait3A_263 = tpu.memref_slice %arg7[%dma_wait3A_262] : memref<2432xf32, #tpu.memory_space<vmem>> -> memref<128xf32, #tpu.memory_space<vmem>>
    %dma_wait3A_264 = tpu.memref_slice %arg3[%add3A_143] : memref<38000xf32, #tpu.memory_space<hbm>> -> memref<128xf32, #tpu.memory_space<hbm>>
    tpu.wait_dma2 semaphore(%arg16 : memref<!tpu.dma_semaphore, #tpu.memory_space<semaphore_mem>>) src(%dma_wait3A_264 : memref<128xf32, #tpu.memory_space<hbm>>) dst(%dma_wait3A_263 : memref<128xf32, #tpu.memory_space<vmem>>)
    %dma_wait3A_265 = arith.constant 2304 : i32
    %dma_wait3A_266 = tpu.memref_slice %arg7[%dma_wait3A_265] : memref<2432xf32, #tpu.memory_space<vmem>> -> memref<128xf32, #tpu.memory_space<vmem>>
    %dma_wait3A_267 = tpu.memref_slice %arg3[%add3A_151] : memref<38000xf32, #tpu.memory_space<hbm>> -> memref<128xf32, #tpu.memory_space<hbm>>
    %dma_wait3A_268 = arith.constant 2304 : i32
    %dma_wait3A_269 = tpu.memref_slice %arg7[%dma_wait3A_268] : memref<2432xf32, #tpu.memory_space<vmem>> -> memref<128xf32, #tpu.memory_space<vmem>>
    %dma_wait3A_270 = tpu.memref_slice %arg3[%add3A_151] : memref<38000xf32, #tpu.memory_space<hbm>> -> memref<128xf32, #tpu.memory_space<hbm>>
    tpu.wait_dma2 semaphore(%arg16 : memref<!tpu.dma_semaphore, #tpu.memory_space<semaphore_mem>>) src(%dma_wait3A_270 : memref<128xf32, #tpu.memory_space<hbm>>) dst(%dma_wait3A_269 : memref<128xf32, #tpu.memory_space<vmem>>)
    %get3A = arith.constant 0 : index
    %get3A_271 = tpu.vector_load %arg7[%get3A] {strides = array<i32>} : memref<2432xf32, #tpu.memory_space<vmem>>, vector<16xf32>,
    %get3A_272 = arith.constant 128 : index
    %get3A_273 = tpu.vector_load %arg7[%get3A_272] {strides = array<i32>} : memref<2432xf32, #tpu.memory_space<vmem>>, vector<16xf32>,
    %add3A_274 = arith.addf %get3A_271, %get3A_273 : vector<16xf32>
    %get3A_275 = arith.constant 256 : index
    %get3A_276 = tpu.vector_load %arg7[%get3A_275] {strides = array<i32>} : memref<2432xf32, #tpu.memory_space<vmem>>, vector<16xf32>,
    %add3A_277 = arith.addf %add3A_274, %get3A_276 : vector<16xf32>
    %get3A_278 = arith.constant 384 : index
    %get3A_279 = tpu.vector_load %arg7[%get3A_278] {strides = array<i32>} : memref<2432xf32, #tpu.memory_space<vmem>>, vector<16xf32>,
    %add3A_280 = arith.addf %add3A_277, %get3A_279 : vector<16xf32>
    %get3A_281 = arith.constant 512 : index
    %get3A_282 = tpu.vector_load %arg7[%get3A_281] {strides = array<i32>} : memref<2432xf32, #tpu.memory_space<vmem>>, vector<16xf32>,
    %add3A_283 = arith.addf %add3A_280, %get3A_282 : vector<16xf32>
    %get3A_284 = arith.constant 640 : index
    %get3A_285 = tpu.vector_load %arg7[%get3A_284] {strides = array<i32>} : memref<2432xf32, #tpu.memory_space<vmem>>, vector<16xf32>,
    %add3A_286 = arith.addf %add3A_283, %get3A_285 : vector<16xf32>
    %get3A_287 = arith.constant 768 : index
    %get3A_288 = tpu.vector_load %arg7[%get3A_287] {strides = array<i32>} : memref<2432xf32, #tpu.memory_space<vmem>>, vector<16xf32>,
    %add3A_289 = arith.addf %add3A_286, %get3A_288 : vector<16xf32>
    %get3A_290 = arith.constant 896 : index
    %get3A_291 = tpu.vector_load %arg7[%get3A_290] {strides = array<i32>} : memref<2432xf32, #tpu.memory_space<vmem>>, vector<16xf32>,
    %add3A_292 = arith.addf %add3A_289, %get3A_291 : vector<16xf32>
    %get3A_293 = arith.constant 1024 : index
    %get3A_294 = tpu.vector_load %arg7[%get3A_293] {strides = array<i32>} : memref<2432xf32, #tpu.memory_space<vmem>>, vector<16xf32>,
    %add3A_295 = arith.addf %add3A_292, %get3A_294 : vector<16xf32>
    %get3A_296 = arith.constant 1152 : index
    %get3A_297 = tpu.vector_load %arg7[%get3A_296] {strides = array<i32>} : memref<2432xf32, #tpu.memory_space<vmem>>, vector<16xf32>,
    %add3A_298 = arith.addf %add3A_295, %get3A_297 : vector<16xf32>
    %get3A_299 = arith.constant 1280 : index
    %get3A_300 = tpu.vector_load %arg7[%get3A_299] {strides = array<i32>} : memref<2432xf32, #tpu.memory_space<vmem>>, vector<16xf32>,
    %add3A_301 = arith.addf %add3A_298, %get3A_300 : vector<16xf32>
    %get3A_302 = arith.constant 1408 : index
    %get3A_303 = tpu.vector_load %arg7[%get3A_302] {strides = array<i32>} : memref<2432xf32, #tpu.memory_space<vmem>>, vector<16xf32>,
    %add3A_304 = arith.addf %add3A_301, %get3A_303 : vector<16xf32>
    %get3A_305 = arith.constant 1536 : index
    %get3A_306 = tpu.vector_load %arg7[%get3A_305] {strides = array<i32>} : memref<2432xf32, #tpu.memory_space<vmem>>, vector<16xf32>,
    %add3A_307 = arith.addf %add3A_304, %get3A_306 : vector<16xf32>
    %get3A_308 = arith.constant 1664 : index
    %get3A_309 = tpu.vector_load %arg7[%get3A_308] {strides = array<i32>} : memref<2432xf32, #tpu.memory_space<vmem>>, vector<16xf32>,
    %add3A_310 = arith.addf %add3A_307, %get3A_309 : vector<16xf32>
    %get3A_311 = arith.constant 1792 : index
    %get3A_312 = tpu.vector_load %arg7[%get3A_311] {strides = array<i32>} : memref<2432xf32, #tpu.memory_space<vmem>>, vector<16xf32>,
    %add3A_313 = arith.addf %add3A_310, %get3A_312 : vector<16xf32>
    %get3A_314 = arith.constant 1920 : index
    %get3A_315 = tpu.vector_load %arg7[%get3A_314] {strides = array<i32>} : memref<2432xf32, #tpu.memory_space<vmem>>, vector<16xf32>,
    %add3A_316 = arith.addf %add3A_313, %get3A_315 : vector<16xf32>
    %get3A_317 = arith.constant 2048 : index
    %get3A_318 = tpu.vector_load %arg7[%get3A_317] {strides = array<i32>} : memref<2432xf32, #tpu.memory_space<vmem>>, vector<16xf32>,
    %add3A_319 = arith.addf %add3A_316, %get3A_318 : vector<16xf32>
    %get3A_320 = arith.constant 2176 : index
    %get3A_321 = tpu.vector_load %arg7[%get3A_320] {strides = array<i32>} : memref<2432xf32, #tpu.memory_space<vmem>>, vector<16xf32>,
    %add3A_322 = arith.addf %add3A_319, %get3A_321 : vector<16xf32>
    %get3A_323 = arith.constant 2304 : index
    %get3A_324 = tpu.vector_load %arg7[%get3A_323] {strides = array<i32>} : memref<2432xf32, #tpu.memory_space<vmem>>, vector<16xf32>,
    %add3A_325 = arith.addf %add3A_322, %get3A_324 : vector<16xf32>
    %swap3A = arith.constant 0 : index
    %swap3A_326 = tpu.vector_load %arg8[%swap3A] {strides = array<i32>} : memref<128xf32, #tpu.memory_space<vmem>>, vector<16xf32>,
    tpu.vector_store %arg8[%swap3A], %add3A_325 {strides = array<i32>} : memref<128xf32, #tpu.memory_space<vmem>>, vector<16xf32>,
    %get3A_327 = arith.constant 16 : index
    %get3A_328 = tpu.vector_load %arg7[%get3A_327] {strides = array<i32>} : memref<2432xf32, #tpu.memory_space<vmem>>, vector<16xf32>,
    %get3A_329 = arith.constant 144 : index
    %get3A_330 = tpu.vector_load %arg7[%get3A_329] {strides = array<i32>} : memref<2432xf32, #tpu.memory_space<vmem>>, vector<16xf32>,
    %add3A_331 = arith.addf %get3A_328, %get3A_330 : vector<16xf32>
    %get3A_332 = arith.constant 272 : index
    %get3A_333 = tpu.vector_load %arg7[%get3A_332] {strides = array<i32>} : memref<2432xf32, #tpu.memory_space<vmem>>, vector<16xf32>,
    %add3A_334 = arith.addf %add3A_331, %get3A_333 : vector<16xf32>
    %get3A_335 = arith.constant 400 : index
    %get3A_336 = tpu.vector_load %arg7[%get3A_335] {strides = array<i32>} : memref<2432xf32, #tpu.memory_space<vmem>>, vector<16xf32>,
    %add3A_337 = arith.addf %add3A_334, %get3A_336 : vector<16xf32>
    %get3A_338 = arith.constant 528 : index
    %get3A_339 = tpu.vector_load %arg7[%get3A_338] {strides = array<i32>} : memref<2432xf32, #tpu.memory_space<vmem>>, vector<16xf32>,
    %add3A_340 = arith.addf %add3A_337, %get3A_339 : vector<16xf32>
    %get3A_341 = arith.constant 656 : index
    %get3A_342 = tpu.vector_load %arg7[%get3A_341] {strides = array<i32>} : memref<2432xf32, #tpu.memory_space<vmem>>, vector<16xf32>,
    %add3A_343 = arith.addf %add3A_340, %get3A_342 : vector<16xf32>
    %get3A_344 = arith.constant 784 : index
    %get3A_345 = tpu.vector_load %arg7[%get3A_344] {strides = array<i32>} : memref<2432xf32, #tpu.memory_space<vmem>>, vector<16xf32>,
    %add3A_346 = arith.addf %add3A_343, %get3A_345 : vector<16xf32>
    %get3A_347 = arith.constant 912 : index
    %get3A_348 = tpu.vector_load %arg7[%get3A_347] {strides = array<i32>} : memref<2432xf32, #tpu.memory_space<vmem>>, vector<16xf32>,
    %add3A_349 = arith.addf %add3A_346, %get3A_348 : vector<16xf32>
    %get3A_350 = arith.constant 1040 : index
    %get3A_351 = tpu.vector_load %arg7[%get3A_350] {strides = array<i32>} : memref<2432xf32, #tpu.memory_space<vmem>>, vector<16xf32>,
    %add3A_352 = arith.addf %add3A_349, %get3A_351 : vector<16xf32>
    %get3A_353 = arith.constant 1168 : index
    %get3A_354 = tpu.vector_load %arg7[%get3A_353] {strides = array<i32>} : memref<2432xf32, #tpu.memory_space<vmem>>, vector<16xf32>,
    %add3A_355 = arith.addf %add3A_352, %get3A_354 : vector<16xf32>
    %get3A_356 = arith.constant 1296 : index
    %get3A_357 = tpu.vector_load %arg7[%get3A_356] {strides = array<i32>} : memref<2432xf32, #tpu.memory_space<vmem>>, vector<16xf32>,
    %add3A_358 = arith.addf %add3A_355, %get3A_357 : vector<16xf32>
    %get3A_359 = arith.constant 1424 : index
    %get3A_360 = tpu.vector_load %arg7[%get3A_359] {strides = array<i32>} : memref<2432xf32, #tpu.memory_space<vmem>>, vector<16xf32>,
    %add3A_361 = arith.addf %add3A_358, %get3A_360 : vector<16xf32>
    %get3A_362 = arith.constant 1552 : index
    %get3A_363 = tpu.vector_load %arg7[%get3A_362] {strides = array<i32>} : memref<2432xf32, #tpu.memory_space<vmem>>, vector<16xf32>,
    %add3A_364 = arith.addf %add3A_361, %get3A_363 : vector<16xf32>
    %get3A_365 = arith.constant 1680 : index
    %get3A_366 = tpu.vector_load %arg7[%get3A_365] {strides = array<i32>} : memref<2432xf32, #tpu.memory_space<vmem>>, vector<16xf32>,
    %add3A_367 = arith.addf %add3A_364, %get3A_366 : vector<16xf32>
    %get3A_368 = arith.constant 1808 : index
    %get3A_369 = tpu.vector_load %arg7[%get3A_368] {strides = array<i32>} : memref<2432xf32, #tpu.memory_space<vmem>>, vector<16xf32>,
    %add3A_370 = arith.addf %add3A_367, %get3A_369 : vector<16xf32>
    %get3A_371 = arith.constant 1936 : index
    %get3A_372 = tpu.vector_load %arg7[%get3A_371] {strides = array<i32>} : memref<2432xf32, #tpu.memory_space<vmem>>, vector<16xf32>,
    %add3A_373 = arith.addf %add3A_370, %get3A_372 : vector<16xf32>
    %get3A_374 = arith.constant 2064 : index
    %get3A_375 = tpu.vector_load %arg7[%get3A_374] {strides = array<i32>} : memref<2432xf32, #tpu.memory_space<vmem>>, vector<16xf32>,
    %add3A_376 = arith.addf %add3A_373, %get3A_375 : vector<16xf32>
    %get3A_377 = arith.constant 2192 : index
    %get3A_378 = tpu.vector_load %arg7[%get3A_377] {strides = array<i32>} : memref<2432xf32, #tpu.memory_space<vmem>>, vector<16xf32>,
    %add3A_379 = arith.addf %add3A_376, %get3A_378 : vector<16xf32>
    %get3A_380 = arith.constant 2320 : index
    %get3A_381 = tpu.vector_load %arg7[%get3A_380] {strides = array<i32>} : memref<2432xf32, #tpu.memory_space<vmem>>, vector<16xf32>,
    %add3A_382 = arith.addf %add3A_379, %get3A_381 : vector<16xf32>
    %swap3A_383 = arith.constant 16 : index
    %swap3A_384 = tpu.vector_load %arg8[%swap3A_383] {strides = array<i32>} : memref<128xf32, #tpu.memory_space<vmem>>, vector<16xf32>,
    tpu.vector_store %arg8[%swap3A_383], %add3A_382 {strides = array<i32>} : memref<128xf32, #tpu.memory_space<vmem>>, vector<16xf32>,
    %get3A_385 = arith.constant 32 : index
    %get3A_386 = tpu.vector_load %arg7[%get3A_385] {strides = array<i32>} : memref<2432xf32, #tpu.memory_space<vmem>>, vector<16xf32>,
    %get3A_387 = arith.constant 160 : index
    %get3A_388 = tpu.vector_load %arg7[%get3A_387] {strides = array<i32>} : memref<2432xf32, #tpu.memory_space<vmem>>, vector<16xf32>,
    %add3A_389 = arith.addf %get3A_386, %get3A_388 : vector<16xf32>
    %get3A_390 = arith.constant 288 : index
    %get3A_391 = tpu.vector_load %arg7[%get3A_390] {strides = array<i32>} : memref<2432xf32, #tpu.memory_space<vmem>>, vector<16xf32>,
    %add3A_392 = arith.addf %add3A_389, %get3A_391 : vector<16xf32>
    %get3A_393 = arith.constant 416 : index
    %get3A_394 = tpu.vector_load %arg7[%get3A_393] {strides = array<i32>} : memref<2432xf32, #tpu.memory_space<vmem>>, vector<16xf32>,
    %add3A_395 = arith.addf %add3A_392, %get3A_394 : vector<16xf32>
    %get3A_396 = arith.constant 544 : index
    %get3A_397 = tpu.vector_load %arg7[%get3A_396] {strides = array<i32>} : memref<2432xf32, #tpu.memory_space<vmem>>, vector<16xf32>,
    %add3A_398 = arith.addf %add3A_395, %get3A_397 : vector<16xf32>
    %get3A_399 = arith.constant 672 : index
    %get3A_400 = tpu.vector_load %arg7[%get3A_399] {strides = array<i32>} : memref<2432xf32, #tpu.memory_space<vmem>>, vector<16xf32>,
    %add3A_401 = arith.addf %add3A_398, %get3A_400 : vector<16xf32>
    %get3A_402 = arith.constant 800 : index
    %get3A_403 = tpu.vector_load %arg7[%get3A_402] {strides = array<i32>} : memref<2432xf32, #tpu.memory_space<vmem>>, vector<16xf32>,
    %add3A_404 = arith.addf %add3A_401, %get3A_403 : vector<16xf32>
    %get3A_405 = arith.constant 928 : index
    %get3A_406 = tpu.vector_load %arg7[%get3A_405] {strides = array<i32>} : memref<2432xf32, #tpu.memory_space<vmem>>, vector<16xf32>,
    %add3A_407 = arith.addf %add3A_404, %get3A_406 : vector<16xf32>
    %get3A_408 = arith.constant 1056 : index
    %get3A_409 = tpu.vector_load %arg7[%get3A_408] {strides = array<i32>} : memref<2432xf32, #tpu.memory_space<vmem>>, vector<16xf32>,
    %add3A_410 = arith.addf %add3A_407, %get3A_409 : vector<16xf32>
    %get3A_411 = arith.constant 1184 : index
    %get3A_412 = tpu.vector_load %arg7[%get3A_411] {strides = array<i32>} : memref<2432xf32, #tpu.memory_space<vmem>>, vector<16xf32>,
    %add3A_413 = arith.addf %add3A_410, %get3A_412 : vector<16xf32>
    %get3A_414 = arith.constant 1312 : index
    %get3A_415 = tpu.vector_load %arg7[%get3A_414] {strides = array<i32>} : memref<2432xf32, #tpu.memory_space<vmem>>, vector<16xf32>,
    %add3A_416 = arith.addf %add3A_413, %get3A_415 : vector<16xf32>
    %get3A_417 = arith.constant 1440 : index
    %get3A_418 = tpu.vector_load %arg7[%get3A_417] {strides = array<i32>} : memref<2432xf32, #tpu.memory_space<vmem>>, vector<16xf32>,
    %add3A_419 = arith.addf %add3A_416, %get3A_418 : vector<16xf32>
    %get3A_420 = arith.constant 1568 : index
    %get3A_421 = tpu.vector_load %arg7[%get3A_420] {strides = array<i32>} : memref<2432xf32, #tpu.memory_space<vmem>>, vector<16xf32>,
    %add3A_422 = arith.addf %add3A_419, %get3A_421 : vector<16xf32>
    %get3A_423 = arith.constant 1696 : index
    %get3A_424 = tpu.vector_load %arg7[%get3A_423] {strides = array<i32>} : memref<2432xf32, #tpu.memory_space<vmem>>, vector<16xf32>,
    %add3A_425 = arith.addf %add3A_422, %get3A_424 : vector<16xf32>
    %get3A_426 = arith.constant 1824 : index
    %get3A_427 = tpu.vector_load %arg7[%get3A_426] {strides = array<i32>} : memref<2432xf32, #tpu.memory_space<vmem>>, vector<16xf32>,
    %add3A_428 = arith.addf %add3A_425, %get3A_427 : vector<16xf32>
    %get3A_429 = arith.constant 1952 : index
    %get3A_430 = tpu.vector_load %arg7[%get3A_429] {strides = array<i32>} : memref<2432xf32, #tpu.memory_space<vmem>>, vector<16xf32>,
    %add3A_431 = arith.addf %add3A_428, %get3A_430 : vector<16xf32>
    %get3A_432 = arith.constant 2080 : index
    %get3A_433 = tpu.vector_load %arg7[%get3A_432] {strides = array<i32>} : memref<2432xf32, #tpu.memory_space<vmem>>, vector<16xf32>,
    %add3A_434 = arith.addf %add3A_431, %get3A_433 : vector<16xf32>
    %get3A_435 = arith.constant 2208 : index
    %get3A_436 = tpu.vector_load %arg7[%get3A_435] {strides = array<i32>} : memref<2432xf32, #tpu.memory_space<vmem>>, vector<16xf32>,
    %add3A_437 = arith.addf %add3A_434, %get3A_436 : vector<16xf32>
    %get3A_438 = arith.constant 2336 : index
    %get3A_439 = tpu.vector_load %arg7[%get3A_438] {strides = array<i32>} : memref<2432xf32, #tpu.memory_space<vmem>>, vector<16xf32>,
    %add3A_440 = arith.addf %add3A_437, %get3A_439 : vector<16xf32>
    %swap3A_441 = arith.constant 32 : index
    %swap3A_442 = tpu.vector_load %arg8[%swap3A_441] {strides = array<i32>} : memref<128xf32, #tpu.memory_space<vmem>>, vector<16xf32>,
    tpu.vector_store %arg8[%swap3A_441], %add3A_440 {strides = array<i32>} : memref<128xf32, #tpu.memory_space<vmem>>, vector<16xf32>,
    %get3A_443 = arith.constant 48 : index
    %get3A_444 = tpu.vector_load %arg7[%get3A_443] {strides = array<i32>} : memref<2432xf32, #tpu.memory_space<vmem>>, vector<16xf32>,
    %get3A_445 = arith.constant 176 : index
    %get3A_446 = tpu.vector_load %arg7[%get3A_445] {strides = array<i32>} : memref<2432xf32, #tpu.memory_space<vmem>>, vector<16xf32>,
    %add3A_447 = arith.addf %get3A_444, %get3A_446 : vector<16xf32>
    %get3A_448 = arith.constant 304 : index
    %get3A_449 = tpu.vector_load %arg7[%get3A_448] {strides = array<i32>} : memref<2432xf32, #tpu.memory_space<vmem>>, vector<16xf32>,
    %add3A_450 = arith.addf %add3A_447, %get3A_449 : vector<16xf32>
    %get3A_451 = arith.constant 432 : index
    %get3A_452 = tpu.vector_load %arg7[%get3A_451] {strides = array<i32>} : memref<2432xf32, #tpu.memory_space<vmem>>, vector<16xf32>,
    %add3A_453 = arith.addf %add3A_450, %get3A_452 : vector<16xf32>
    %get3A_454 = arith.constant 560 : index
    %get3A_455 = tpu.vector_load %arg7[%get3A_454] {strides = array<i32>} : memref<2432xf32, #tpu.memory_space<vmem>>, vector<16xf32>,
    %add3A_456 = arith.addf %add3A_453, %get3A_455 : vector<16xf32>
    %get3A_457 = arith.constant 688 : index
    %get3A_458 = tpu.vector_load %arg7[%get3A_457] {strides = array<i32>} : memref<2432xf32, #tpu.memory_space<vmem>>, vector<16xf32>,
    %add3A_459 = arith.addf %add3A_456, %get3A_458 : vector<16xf32>
    %get3A_460 = arith.constant 816 : index
    %get3A_461 = tpu.vector_load %arg7[%get3A_460] {strides = array<i32>} : memref<2432xf32, #tpu.memory_space<vmem>>, vector<16xf32>,
    %add3A_462 = arith.addf %add3A_459, %get3A_461 : vector<16xf32>
    %get3A_463 = arith.constant 944 : index
    %get3A_464 = tpu.vector_load %arg7[%get3A_463] {strides = array<i32>} : memref<2432xf32, #tpu.memory_space<vmem>>, vector<16xf32>,
    %add3A_465 = arith.addf %add3A_462, %get3A_464 : vector<16xf32>
    %get3A_466 = arith.constant 1072 : index
    %get3A_467 = tpu.vector_load %arg7[%get3A_466] {strides = array<i32>} : memref<2432xf32, #tpu.memory_space<vmem>>, vector<16xf32>,
    %add3A_468 = arith.addf %add3A_465, %get3A_467 : vector<16xf32>
    %get3A_469 = arith.constant 1200 : index
    %get3A_470 = tpu.vector_load %arg7[%get3A_469] {strides = array<i32>} : memref<2432xf32, #tpu.memory_space<vmem>>, vector<16xf32>,
    %add3A_471 = arith.addf %add3A_468, %get3A_470 : vector<16xf32>
    %get3A_472 = arith.constant 1328 : index
    %get3A_473 = tpu.vector_load %arg7[%get3A_472] {strides = array<i32>} : memref<2432xf32, #tpu.memory_space<vmem>>, vector<16xf32>,
    %add3A_474 = arith.addf %add3A_471, %get3A_473 : vector<16xf32>
    %get3A_475 = arith.constant 1456 : index
    %get3A_476 = tpu.vector_load %arg7[%get3A_475] {strides = array<i32>} : memref<2432xf32, #tpu.memory_space<vmem>>, vector<16xf32>,
    %add3A_477 = arith.addf %add3A_474, %get3A_476 : vector<16xf32>
    %get3A_478 = arith.constant 1584 : index
    %get3A_479 = tpu.vector_load %arg7[%get3A_478] {strides = array<i32>} : memref<2432xf32, #tpu.memory_space<vmem>>, vector<16xf32>,
    %add3A_480 = arith.addf %add3A_477, %get3A_479 : vector<16xf32>
    %get3A_481 = arith.constant 1712 : index
    %get3A_482 = tpu.vector_load %arg7[%get3A_481] {strides = array<i32>} : memref<2432xf32, #tpu.memory_space<vmem>>, vector<16xf32>,
    %add3A_483 = arith.addf %add3A_480, %get3A_482 : vector<16xf32>
    %get3A_484 = arith.constant 1840 : index
    %get3A_485 = tpu.vector_load %arg7[%get3A_484] {strides = array<i32>} : memref<2432xf32, #tpu.memory_space<vmem>>, vector<16xf32>,
    %add3A_486 = arith.addf %add3A_483, %get3A_485 : vector<16xf32>
    %get3A_487 = arith.constant 1968 : index
    %get3A_488 = tpu.vector_load %arg7[%get3A_487] {strides = array<i32>} : memref<2432xf32, #tpu.memory_space<vmem>>, vector<16xf32>,
    %add3A_489 = arith.addf %add3A_486, %get3A_488 : vector<16xf32>
    %get3A_490 = arith.constant 2096 : index
    %get3A_491 = tpu.vector_load %arg7[%get3A_490] {strides = array<i32>} : memref<2432xf32, #tpu.memory_space<vmem>>, vector<16xf32>,
    %add3A_492 = arith.addf %add3A_489, %get3A_491 : vector<16xf32>
    %get3A_493 = arith.constant 2224 : index
    %get3A_494 = tpu.vector_load %arg7[%get3A_493] {strides = array<i32>} : memref<2432xf32, #tpu.memory_space<vmem>>, vector<16xf32>,
    %add3A_495 = arith.addf %add3A_492, %get3A_494 : vector<16xf32>
    %get3A_496 = arith.constant 2352 : index
    %get3A_497 = tpu.vector_load %arg7[%get3A_496] {strides = array<i32>} : memref<2432xf32, #tpu.memory_space<vmem>>, vector<16xf32>,
    %add3A_498 = arith.addf %add3A_495, %get3A_497 : vector<16xf32>
    %swap3A_499 = arith.constant 48 : index
    %swap3A_500 = tpu.vector_load %arg8[%swap3A_499] {strides = array<i32>} : memref<128xf32, #tpu.memory_space<vmem>>, vector<16xf32>,
    tpu.vector_store %arg8[%swap3A_499], %add3A_498 {strides = array<i32>} : memref<128xf32, #tpu.memory_space<vmem>>, vector<16xf32>,
    %get3A_501 = arith.constant 64 : index
    %get3A_502 = tpu.vector_load %arg7[%get3A_501] {strides = array<i32>} : memref<2432xf32, #tpu.memory_space<vmem>>, vector<16xf32>,
    %get3A_503 = arith.constant 192 : index
    %get3A_504 = tpu.vector_load %arg7[%get3A_503] {strides = array<i32>} : memref<2432xf32, #tpu.memory_space<vmem>>, vector<16xf32>,
    %add3A_505 = arith.addf %get3A_502, %get3A_504 : vector<16xf32>
    %get3A_506 = arith.constant 320 : index
    %get3A_507 = tpu.vector_load %arg7[%get3A_506] {strides = array<i32>} : memref<2432xf32, #tpu.memory_space<vmem>>, vector<16xf32>,
    %add3A_508 = arith.addf %add3A_505, %get3A_507 : vector<16xf32>
    %get3A_509 = arith.constant 448 : index
    %get3A_510 = tpu.vector_load %arg7[%get3A_509] {strides = array<i32>} : memref<2432xf32, #tpu.memory_space<vmem>>, vector<16xf32>,
    %add3A_511 = arith.addf %add3A_508, %get3A_510 : vector<16xf32>
    %get3A_512 = arith.constant 576 : index
    %get3A_513 = tpu.vector_load %arg7[%get3A_512] {strides = array<i32>} : memref<2432xf32, #tpu.memory_space<vmem>>, vector<16xf32>,
    %add3A_514 = arith.addf %add3A_511, %get3A_513 : vector<16xf32>
    %get3A_515 = arith.constant 704 : index
    %get3A_516 = tpu.vector_load %arg7[%get3A_515] {strides = array<i32>} : memref<2432xf32, #tpu.memory_space<vmem>>, vector<16xf32>,
    %add3A_517 = arith.addf %add3A_514, %get3A_516 : vector<16xf32>
    %get3A_518 = arith.constant 832 : index
    %get3A_519 = tpu.vector_load %arg7[%get3A_518] {strides = array<i32>} : memref<2432xf32, #tpu.memory_space<vmem>>, vector<16xf32>,
    %add3A_520 = arith.addf %add3A_517, %get3A_519 : vector<16xf32>
    %get3A_521 = arith.constant 960 : index
    %get3A_522 = tpu.vector_load %arg7[%get3A_521] {strides = array<i32>} : memref<2432xf32, #tpu.memory_space<vmem>>, vector<16xf32>,
    %add3A_523 = arith.addf %add3A_520, %get3A_522 : vector<16xf32>
    %get3A_524 = arith.constant 1088 : index
    %get3A_525 = tpu.vector_load %arg7[%get3A_524] {strides = array<i32>} : memref<2432xf32, #tpu.memory_space<vmem>>, vector<16xf32>,
    %add3A_526 = arith.addf %add3A_523, %get3A_525 : vector<16xf32>
    %get3A_527 = arith.constant 1216 : index
    %get3A_528 = tpu.vector_load %arg7[%get3A_527] {strides = array<i32>} : memref<2432xf32, #tpu.memory_space<vmem>>, vector<16xf32>,
    %add3A_529 = arith.addf %add3A_526, %get3A_528 : vector<16xf32>
    %get3A_530 = arith.constant 1344 : index
    %get3A_531 = tpu.vector_load %arg7[%get3A_530] {strides = array<i32>} : memref<2432xf32, #tpu.memory_space<vmem>>, vector<16xf32>,
    %add3A_532 = arith.addf %add3A_529, %get3A_531 : vector<16xf32>
    %get3A_533 = arith.constant 1472 : index
    %get3A_534 = tpu.vector_load %arg7[%get3A_533] {strides = array<i32>} : memref<2432xf32, #tpu.memory_space<vmem>>, vector<16xf32>,
    %add3A_535 = arith.addf %add3A_532, %get3A_534 : vector<16xf32>
    %get3A_536 = arith.constant 1600 : index
    %get3A_537 = tpu.vector_load %arg7[%get3A_536] {strides = array<i32>} : memref<2432xf32, #tpu.memory_space<vmem>>, vector<16xf32>,
    %add3A_538 = arith.addf %add3A_535, %get3A_537 : vector<16xf32>
    %get3A_539 = arith.constant 1728 : index
    %get3A_540 = tpu.vector_load %arg7[%get3A_539] {strides = array<i32>} : memref<2432xf32, #tpu.memory_space<vmem>>, vector<16xf32>,
    %add3A_541 = arith.addf %add3A_538, %get3A_540 : vector<16xf32>
    %get3A_542 = arith.constant 1856 : index
    %get3A_543 = tpu.vector_load %arg7[%get3A_542] {strides = array<i32>} : memref<2432xf32, #tpu.memory_space<vmem>>, vector<16xf32>,
    %add3A_544 = arith.addf %add3A_541, %get3A_543 : vector<16xf32>
    %get3A_545 = arith.constant 1984 : index
    %get3A_546 = tpu.vector_load %arg7[%get3A_545] {strides = array<i32>} : memref<2432xf32, #tpu.memory_space<vmem>>, vector<16xf32>,
    %add3A_547 = arith.addf %add3A_544, %get3A_546 : vector<16xf32>
    %get3A_548 = arith.constant 2112 : index
    %get3A_549 = tpu.vector_load %arg7[%get3A_548] {strides = array<i32>} : memref<2432xf32, #tpu.memory_space<vmem>>, vector<16xf32>,
    %add3A_550 = arith.addf %add3A_547, %get3A_549 : vector<16xf32>
    %get3A_551 = arith.constant 2240 : index
    %get3A_552 = tpu.vector_load %arg7[%get3A_551] {strides = array<i32>} : memref<2432xf32, #tpu.memory_space<vmem>>, vector<16xf32>,
    %add3A_553 = arith.addf %add3A_550, %get3A_552 : vector<16xf32>
    %get3A_554 = arith.constant 2368 : index
    %get3A_555 = tpu.vector_load %arg7[%get3A_554] {strides = array<i32>} : memref<2432xf32, #tpu.memory_space<vmem>>, vector<16xf32>,
    %add3A_556 = arith.addf %add3A_553, %get3A_555 : vector<16xf32>
    %swap3A_557 = arith.constant 64 : index
    %swap3A_558 = tpu.vector_load %arg8[%swap3A_557] {strides = array<i32>} : memref<128xf32, #tpu.memory_space<vmem>>, vector<16xf32>,
    tpu.vector_store %arg8[%swap3A_557], %add3A_556 {strides = array<i32>} : memref<128xf32, #tpu.memory_space<vmem>>, vector<16xf32>,
    %get3A_559 = arith.constant 80 : index
    %get3A_560 = tpu.vector_load %arg7[%get3A_559] {strides = array<i32>} : memref<2432xf32, #tpu.memory_space<vmem>>, vector<16xf32>,
    %get3A_561 = arith.constant 208 : index
    %get3A_562 = tpu.vector_load %arg7[%get3A_561] {strides = array<i32>} : memref<2432xf32, #tpu.memory_space<vmem>>, vector<16xf32>,
    %add3A_563 = arith.addf %get3A_560, %get3A_562 : vector<16xf32>
    %get3A_564 = arith.constant 336 : index
    %get3A_565 = tpu.vector_load %arg7[%get3A_564] {strides = array<i32>} : memref<2432xf32, #tpu.memory_space<vmem>>, vector<16xf32>,
    %add3A_566 = arith.addf %add3A_563, %get3A_565 : vector<16xf32>
    %get3A_567 = arith.constant 464 : index
    %get3A_568 = tpu.vector_load %arg7[%get3A_567] {strides = array<i32>} : memref<2432xf32, #tpu.memory_space<vmem>>, vector<16xf32>,
    %add3A_569 = arith.addf %add3A_566, %get3A_568 : vector<16xf32>
    %get3A_570 = arith.constant 592 : index
    %get3A_571 = tpu.vector_load %arg7[%get3A_570] {strides = array<i32>} : memref<2432xf32, #tpu.memory_space<vmem>>, vector<16xf32>,
    %add3A_572 = arith.addf %add3A_569, %get3A_571 : vector<16xf32>
    %get3A_573 = arith.constant 720 : index
    %get3A_574 = tpu.vector_load %arg7[%get3A_573] {strides = array<i32>} : memref<2432xf32, #tpu.memory_space<vmem>>, vector<16xf32>,
    %add3A_575 = arith.addf %add3A_572, %get3A_574 : vector<16xf32>
    %get3A_576 = arith.constant 848 : index
    %get3A_577 = tpu.vector_load %arg7[%get3A_576] {strides = array<i32>} : memref<2432xf32, #tpu.memory_space<vmem>>, vector<16xf32>,
    %add3A_578 = arith.addf %add3A_575, %get3A_577 : vector<16xf32>
    %get3A_579 = arith.constant 976 : index
    %get3A_580 = tpu.vector_load %arg7[%get3A_579] {strides = array<i32>} : memref<2432xf32, #tpu.memory_space<vmem>>, vector<16xf32>,
    %add3A_581 = arith.addf %add3A_578, %get3A_580 : vector<16xf32>
    %get3A_582 = arith.constant 1104 : index
    %get3A_583 = tpu.vector_load %arg7[%get3A_582] {strides = array<i32>} : memref<2432xf32, #tpu.memory_space<vmem>>, vector<16xf32>,
    %add3A_584 = arith.addf %add3A_581, %get3A_583 : vector<16xf32>
    %get3A_585 = arith.constant 1232 : index
    %get3A_586 = tpu.vector_load %arg7[%get3A_585] {strides = array<i32>} : memref<2432xf32, #tpu.memory_space<vmem>>, vector<16xf32>,
    %add3A_587 = arith.addf %add3A_584, %get3A_586 : vector<16xf32>
    %get3A_588 = arith.constant 1360 : index
    %get3A_589 = tpu.vector_load %arg7[%get3A_588] {strides = array<i32>} : memref<2432xf32, #tpu.memory_space<vmem>>, vector<16xf32>,
    %add3A_590 = arith.addf %add3A_587, %get3A_589 : vector<16xf32>
    %get3A_591 = arith.constant 1488 : index
    %get3A_592 = tpu.vector_load %arg7[%get3A_591] {strides = array<i32>} : memref<2432xf32, #tpu.memory_space<vmem>>, vector<16xf32>,
    %add3A_593 = arith.addf %add3A_590, %get3A_592 : vector<16xf32>
    %get3A_594 = arith.constant 1616 : index
    %get3A_595 = tpu.vector_load %arg7[%get3A_594] {strides = array<i32>} : memref<2432xf32, #tpu.memory_space<vmem>>, vector<16xf32>,
    %add3A_596 = arith.addf %add3A_593, %get3A_595 : vector<16xf32>
    %get3A_597 = arith.constant 1744 : index
    %get3A_598 = tpu.vector_load %arg7[%get3A_597] {strides = array<i32>} : memref<2432xf32, #tpu.memory_space<vmem>>, vector<16xf32>,
    %add3A_599 = arith.addf %add3A_596, %get3A_598 : vector<16xf32>
    %get3A_600 = arith.constant 1872 : index
    %get3A_601 = tpu.vector_load %arg7[%get3A_600] {strides = array<i32>} : memref<2432xf32, #tpu.memory_space<vmem>>, vector<16xf32>,
    %add3A_602 = arith.addf %add3A_599, %get3A_601 : vector<16xf32>
    %get3A_603 = arith.constant 2000 : index
    %get3A_604 = tpu.vector_load %arg7[%get3A_603] {strides = array<i32>} : memref<2432xf32, #tpu.memory_space<vmem>>, vector<16xf32>,
    %add3A_605 = arith.addf %add3A_602, %get3A_604 : vector<16xf32>
    %get3A_606 = arith.constant 2128 : index
    %get3A_607 = tpu.vector_load %arg7[%get3A_606] {strides = array<i32>} : memref<2432xf32, #tpu.memory_space<vmem>>, vector<16xf32>,
    %add3A_608 = arith.addf %add3A_605, %get3A_607 : vector<16xf32>
    %get3A_609 = arith.constant 2256 : index
    %get3A_610 = tpu.vector_load %arg7[%get3A_609] {strides = array<i32>} : memref<2432xf32, #tpu.memory_space<vmem>>, vector<16xf32>,
    %add3A_611 = arith.addf %add3A_608, %get3A_610 : vector<16xf32>
    %get3A_612 = arith.constant 2384 : index
    %get3A_613 = tpu.vector_load %arg7[%get3A_612] {strides = array<i32>} : memref<2432xf32, #tpu.memory_space<vmem>>, vector<16xf32>,
    %add3A_614 = arith.addf %add3A_611, %get3A_613 : vector<16xf32>
    %swap3A_615 = arith.constant 80 : index
    %swap3A_616 = tpu.vector_load %arg8[%swap3A_615] {strides = array<i32>} : memref<128xf32, #tpu.memory_space<vmem>>, vector<16xf32>,
    tpu.vector_store %arg8[%swap3A_615], %add3A_614 {strides = array<i32>} : memref<128xf32, #tpu.memory_space<vmem>>, vector<16xf32>,
    %get3A_617 = arith.constant 96 : index
    %get3A_618 = tpu.vector_load %arg7[%get3A_617] {strides = array<i32>} : memref<2432xf32, #tpu.memory_space<vmem>>, vector<16xf32>,
    %get3A_619 = arith.constant 224 : index
    %get3A_620 = tpu.vector_load %arg7[%get3A_619] {strides = array<i32>} : memref<2432xf32, #tpu.memory_space<vmem>>, vector<16xf32>,
    %add3A_621 = arith.addf %get3A_618, %get3A_620 : vector<16xf32>
    %get3A_622 = arith.constant 352 : index
    %get3A_623 = tpu.vector_load %arg7[%get3A_622] {strides = array<i32>} : memref<2432xf32, #tpu.memory_space<vmem>>, vector<16xf32>,
    %add3A_624 = arith.addf %add3A_621, %get3A_623 : vector<16xf32>
    %get3A_625 = arith.constant 480 : index
    %get3A_626 = tpu.vector_load %arg7[%get3A_625] {strides = array<i32>} : memref<2432xf32, #tpu.memory_space<vmem>>, vector<16xf32>,
    %add3A_627 = arith.addf %add3A_624, %get3A_626 : vector<16xf32>
    %get3A_628 = arith.constant 608 : index
    %get3A_629 = tpu.vector_load %arg7[%get3A_628] {strides = array<i32>} : memref<2432xf32, #tpu.memory_space<vmem>>, vector<16xf32>,
    %add3A_630 = arith.addf %add3A_627, %get3A_629 : vector<16xf32>
    %get3A_631 = arith.constant 736 : index
    %get3A_632 = tpu.vector_load %arg7[%get3A_631] {strides = array<i32>} : memref<2432xf32, #tpu.memory_space<vmem>>, vector<16xf32>,
    %add3A_633 = arith.addf %add3A_630, %get3A_632 : vector<16xf32>
    %get3A_634 = arith.constant 864 : index
    %get3A_635 = tpu.vector_load %arg7[%get3A_634] {strides = array<i32>} : memref<2432xf32, #tpu.memory_space<vmem>>, vector<16xf32>,
    %add3A_636 = arith.addf %add3A_633, %get3A_635 : vector<16xf32>
    %get3A_637 = arith.constant 992 : index
    %get3A_638 = tpu.vector_load %arg7[%get3A_637] {strides = array<i32>} : memref<2432xf32, #tpu.memory_space<vmem>>, vector<16xf32>,
    %add3A_639 = arith.addf %add3A_636, %get3A_638 : vector<16xf32>
    %get3A_640 = arith.constant 1120 : index
    %get3A_641 = tpu.vector_load %arg7[%get3A_640] {strides = array<i32>} : memref<2432xf32, #tpu.memory_space<vmem>>, vector<16xf32>,
    %add3A_642 = arith.addf %add3A_639, %get3A_641 : vector<16xf32>
    %get3A_643 = arith.constant 1248 : index
    %get3A_644 = tpu.vector_load %arg7[%get3A_643] {strides = array<i32>} : memref<2432xf32, #tpu.memory_space<vmem>>, vector<16xf32>,
    %add3A_645 = arith.addf %add3A_642, %get3A_644 : vector<16xf32>
    %get3A_646 = arith.constant 1376 : index
    %get3A_647 = tpu.vector_load %arg7[%get3A_646] {strides = array<i32>} : memref<2432xf32, #tpu.memory_space<vmem>>, vector<16xf32>,
    %add3A_648 = arith.addf %add3A_645, %get3A_647 : vector<16xf32>
    %get3A_649 = arith.constant 1504 : index
    %get3A_650 = tpu.vector_load %arg7[%get3A_649] {strides = array<i32>} : memref<2432xf32, #tpu.memory_space<vmem>>, vector<16xf32>,
    %add3A_651 = arith.addf %add3A_648, %get3A_650 : vector<16xf32>
    %get3A_652 = arith.constant 1632 : index
    %get3A_653 = tpu.vector_load %arg7[%get3A_652] {strides = array<i32>} : memref<2432xf32, #tpu.memory_space<vmem>>, vector<16xf32>,
    %add3A_654 = arith.addf %add3A_651, %get3A_653 : vector<16xf32>
    %get3A_655 = arith.constant 1760 : index
    %get3A_656 = tpu.vector_load %arg7[%get3A_655] {strides = array<i32>} : memref<2432xf32, #tpu.memory_space<vmem>>, vector<16xf32>,
    %add3A_657 = arith.addf %add3A_654, %get3A_656 : vector<16xf32>
    %get3A_658 = arith.constant 1888 : index
    %get3A_659 = tpu.vector_load %arg7[%get3A_658] {strides = array<i32>} : memref<2432xf32, #tpu.memory_space<vmem>>, vector<16xf32>,
    %add3A_660 = arith.addf %add3A_657, %get3A_659 : vector<16xf32>
    %get3A_661 = arith.constant 2016 : index
    %get3A_662 = tpu.vector_load %arg7[%get3A_661] {strides = array<i32>} : memref<2432xf32, #tpu.memory_space<vmem>>, vector<16xf32>,
    %add3A_663 = arith.addf %add3A_660, %get3A_662 : vector<16xf32>
    %get3A_664 = arith.constant 2144 : index
    %get3A_665 = tpu.vector_load %arg7[%get3A_664] {strides = array<i32>} : memref<2432xf32, #tpu.memory_space<vmem>>, vector<16xf32>,
    %add3A_666 = arith.addf %add3A_663, %get3A_665 : vector<16xf32>
    %get3A_667 = arith.constant 2272 : index
    %get3A_668 = tpu.vector_load %arg7[%get3A_667] {strides = array<i32>} : memref<2432xf32, #tpu.memory_space<vmem>>, vector<16xf32>,
    %add3A_669 = arith.addf %add3A_666, %get3A_668 : vector<16xf32>
    %get3A_670 = arith.constant 2400 : index
    %get3A_671 = tpu.vector_load %arg7[%get3A_670] {strides = array<i32>} : memref<2432xf32, #tpu.memory_space<vmem>>, vector<16xf32>,
    %add3A_672 = arith.addf %add3A_669, %get3A_671 : vector<16xf32>
    %swap3A_673 = arith.constant 96 : index
    %swap3A_674 = tpu.vector_load %arg8[%swap3A_673] {strides = array<i32>} : memref<128xf32, #tpu.memory_space<vmem>>, vector<16xf32>,
    tpu.vector_store %arg8[%swap3A_673], %add3A_672 {strides = array<i32>} : memref<128xf32, #tpu.memory_space<vmem>>, vector<16xf32>,
    %get3A_675 = arith.constant 112 : index
    %get3A_676 = tpu.vector_load %arg7[%get3A_675] {strides = array<i32>} : memref<2432xf32, #tpu.memory_space<vmem>>, vector<16xf32>,
    %get3A_677 = arith.constant 240 : index
    %get3A_678 = tpu.vector_load %arg7[%get3A_677] {strides = array<i32>} : memref<2432xf32, #tpu.memory_space<vmem>>, vector<16xf32>,
    %add3A_679 = arith.addf %get3A_676, %get3A_678 : vector<16xf32>
    %get3A_680 = arith.constant 368 : index
    %get3A_681 = tpu.vector_load %arg7[%get3A_680] {strides = array<i32>} : memref<2432xf32, #tpu.memory_space<vmem>>, vector<16xf32>,
    %add3A_682 = arith.addf %add3A_679, %get3A_681 : vector<16xf32>
    %get3A_683 = arith.constant 496 : index
    %get3A_684 = tpu.vector_load %arg7[%get3A_683] {strides = array<i32>} : memref<2432xf32, #tpu.memory_space<vmem>>, vector<16xf32>,
    %add3A_685 = arith.addf %add3A_682, %get3A_684 : vector<16xf32>
    %get3A_686 = arith.constant 624 : index
    %get3A_687 = tpu.vector_load %arg7[%get3A_686] {strides = array<i32>} : memref<2432xf32, #tpu.memory_space<vmem>>, vector<16xf32>,
    %add3A_688 = arith.addf %add3A_685, %get3A_687 : vector<16xf32>
    %get3A_689 = arith.constant 752 : index
    %get3A_690 = tpu.vector_load %arg7[%get3A_689] {strides = array<i32>} : memref<2432xf32, #tpu.memory_space<vmem>>, vector<16xf32>,
    %add3A_691 = arith.addf %add3A_688, %get3A_690 : vector<16xf32>
    %get3A_692 = arith.constant 880 : index
    %get3A_693 = tpu.vector_load %arg7[%get3A_692] {strides = array<i32>} : memref<2432xf32, #tpu.memory_space<vmem>>, vector<16xf32>,
    %add3A_694 = arith.addf %add3A_691, %get3A_693 : vector<16xf32>
    %get3A_695 = arith.constant 1008 : index
    %get3A_696 = tpu.vector_load %arg7[%get3A_695] {strides = array<i32>} : memref<2432xf32, #tpu.memory_space<vmem>>, vector<16xf32>,
    %add3A_697 = arith.addf %add3A_694, %get3A_696 : vector<16xf32>
    %get3A_698 = arith.constant 1136 : index
    %get3A_699 = tpu.vector_load %arg7[%get3A_698] {strides = array<i32>} : memref<2432xf32, #tpu.memory_space<vmem>>, vector<16xf32>,
    %add3A_700 = arith.addf %add3A_697, %get3A_699 : vector<16xf32>
    %get3A_701 = arith.constant 1264 : index
    %get3A_702 = tpu.vector_load %arg7[%get3A_701] {strides = array<i32>} : memref<2432xf32, #tpu.memory_space<vmem>>, vector<16xf32>,
    %add3A_703 = arith.addf %add3A_700, %get3A_702 : vector<16xf32>
    %get3A_704 = arith.constant 1392 : index
    %get3A_705 = tpu.vector_load %arg7[%get3A_704] {strides = array<i32>} : memref<2432xf32, #tpu.memory_space<vmem>>, vector<16xf32>,
    %add3A_706 = arith.addf %add3A_703, %get3A_705 : vector<16xf32>
    %get3A_707 = arith.constant 1520 : index
    %get3A_708 = tpu.vector_load %arg7[%get3A_707] {strides = array<i32>} : memref<2432xf32, #tpu.memory_space<vmem>>, vector<16xf32>,
    %add3A_709 = arith.addf %add3A_706, %get3A_708 : vector<16xf32>
    %get3A_710 = arith.constant 1648 : index
    %get3A_711 = tpu.vector_load %arg7[%get3A_710] {strides = array<i32>} : memref<2432xf32, #tpu.memory_space<vmem>>, vector<16xf32>,
    %add3A_712 = arith.addf %add3A_709, %get3A_711 : vector<16xf32>
    %get3A_713 = arith.constant 1776 : index
    %get3A_714 = tpu.vector_load %arg7[%get3A_713] {strides = array<i32>} : memref<2432xf32, #tpu.memory_space<vmem>>, vector<16xf32>,
    %add3A_715 = arith.addf %add3A_712, %get3A_714 : vector<16xf32>
    %get3A_716 = arith.constant 1904 : index
    %get3A_717 = tpu.vector_load %arg7[%get3A_716] {strides = array<i32>} : memref<2432xf32, #tpu.memory_space<vmem>>, vector<16xf32>,
    %add3A_718 = arith.addf %add3A_715, %get3A_717 : vector<16xf32>
    %get3A_719 = arith.constant 2032 : index
    %get3A_720 = tpu.vector_load %arg7[%get3A_719] {strides = array<i32>} : memref<2432xf32, #tpu.memory_space<vmem>>, vector<16xf32>,
    %add3A_721 = arith.addf %add3A_718, %get3A_720 : vector<16xf32>
    %get3A_722 = arith.constant 2160 : index
    %get3A_723 = tpu.vector_load %arg7[%get3A_722] {strides = array<i32>} : memref<2432xf32, #tpu.memory_space<vmem>>, vector<16xf32>,
    %add3A_724 = arith.addf %add3A_721, %get3A_723 : vector<16xf32>
    %get3A_725 = arith.constant 2288 : index
    %get3A_726 = tpu.vector_load %arg7[%get3A_725] {strides = array<i32>} : memref<2432xf32, #tpu.memory_space<vmem>>, vector<16xf32>,
    %add3A_727 = arith.addf %add3A_724, %get3A_726 : vector<16xf32>
    %get3A_728 = arith.constant 2416 : index
    %get3A_729 = tpu.vector_load %arg7[%get3A_728] {strides = array<i32>} : memref<2432xf32, #tpu.memory_space<vmem>>, vector<16xf32>,
    %add3A_730 = arith.addf %add3A_727, %get3A_729 : vector<16xf32>
    %swap3A_731 = arith.constant 112 : index
    %swap3A_732 = tpu.vector_load %arg8[%swap3A_731] {strides = array<i32>} : memref<128xf32, #tpu.memory_space<vmem>>, vector<16xf32>,
    tpu.vector_store %arg8[%swap3A_731], %add3A_730 {strides = array<i32>} : memref<128xf32, #tpu.memory_space<vmem>>, vector<16xf32>,
    %mul3A_733 = arith.constant 128 : i32
    %mul3A_734 = arith.muli %arg1, %mul3A_733 : i32
    "tpu.region"() ({
      %run_scoped3A = tpu.sem_alloc : memref<!tpu.dma_semaphore, #tpu.memory_space<semaphore_mem>>
      %dma_start3A_781 = tpu.memref_slice %arg12[%mul3A_734] : memref<2048xf32, #tpu.memory_space<vmem_shared>> -> memref<128xf32, #tpu.memory_space<vmem_shared>>
      %dma_start3A_782 = tpu.memref_slice %arg12[%mul3A_734] : memref<2048xf32, #tpu.memory_space<vmem_shared>> -> memref<128xf32, #tpu.memory_space<vmem_shared>>
      tpu.enqueue_dma source(%arg8 : memref<128xf32, #tpu.memory_space<vmem>>) target(%dma_start3A_782 : memref<128xf32, #tpu.memory_space<vmem_shared>>) target_semaphore(%run_scoped3A : memref<!tpu.dma_semaphore, #tpu.memory_space<semaphore_mem>>)
      %dma_wait3A_783 = tpu.memref_slice %arg12[%mul3A_734] : memref<2048xf32, #tpu.memory_space<vmem_shared>> -> memref<128xf32, #tpu.memory_space<vmem_shared>>
      %dma_wait3A_784 = tpu.memref_slice %arg12[%mul3A_734] : memref<2048xf32, #tpu.memory_space<vmem_shared>> -> memref<128xf32, #tpu.memory_space<vmem_shared>>
      tpu.wait_dma2 semaphore(%run_scoped3A : memref<!tpu.dma_semaphore, #tpu.memory_space<semaphore_mem>>) src(%arg8 : memref<128xf32, #tpu.memory_space<vmem>>) dst(%dma_wait3A_784 : memref<128xf32, #tpu.memory_space<vmem_shared>>)
      tpu.yield
    }) : () -> ()
    %barrier3A = arith.constant 0 : index
    tpu.barrier barrier_id(%barrier3A)
    "tpu.region"() ({
      %run_scoped3A = tpu.sem_alloc : memref<!tpu.dma_semaphore, #tpu.memory_space<semaphore_mem>>
      tpu.enqueue_dma source(%arg12 : memref<2048xf32, #tpu.memory_space<vmem_shared>>) target(%arg9 : memref<2048xf32, #tpu.memory_space<vmem>>) target_semaphore(%run_scoped3A : memref<!tpu.dma_semaphore, #tpu.memory_space<semaphore_mem>>)
      tpu.wait_dma2 semaphore(%run_scoped3A : memref<!tpu.dma_semaphore, #tpu.memory_space<semaphore_mem>>) src(%arg12 : memref<2048xf32, #tpu.memory_space<vmem_shared>>) dst(%arg9 : memref<2048xf32, #tpu.memory_space<vmem>>)
      tpu.yield
    }) : () -> ()
    %broadcast_in_dim3A = arith.constant 0.000000e+00 : f32
    %broadcast_in_dim3A_735 = vector.broadcast %broadcast_in_dim3A : f32 to vector<16xf32>
    %broadcast_in_dim3A_736 = arith.constant 0.000000e+00 : f32
    %broadcast_in_dim3A_737 = vector.broadcast %broadcast_in_dim3A_736 : f32 to vector<16xf32>
    %broadcast_in_dim3A_738 = arith.constant 0.000000e+00 : f32
    %broadcast_in_dim3A_739 = vector.broadcast %broadcast_in_dim3A_738 : f32 to vector<16xf32>
    %broadcast_in_dim3A_740 = arith.constant 0.000000e+00 : f32
    %broadcast_in_dim3A_741 = vector.broadcast %broadcast_in_dim3A_740 : f32 to vector<16xf32>
    %broadcast_in_dim3A_742 = arith.constant 0.000000e+00 : f32
    %broadcast_in_dim3A_743 = vector.broadcast %broadcast_in_dim3A_742 : f32 to vector<16xf32>
    %broadcast_in_dim3A_744 = arith.constant 0.000000e+00 : f32
    %broadcast_in_dim3A_745 = vector.broadcast %broadcast_in_dim3A_744 : f32 to vector<16xf32>
    %broadcast_in_dim3A_746 = arith.constant 0.000000e+00 : f32
    %broadcast_in_dim3A_747 = vector.broadcast %broadcast_in_dim3A_746 : f32 to vector<16xf32>
    %broadcast_in_dim3A_748 = arith.constant 0.000000e+00 : f32
    %broadcast_in_dim3A_749 = vector.broadcast %broadcast_in_dim3A_748 : f32 to vector<16xf32>
    %add3A_750 = arith.constant 12800 : i32
    %add3A_751 = arith.addi %mul3A_2, %add3A_750 : i32
    %dma_start3A_752 = tpu.memref_slice %arg2[%add3A_751] : memref<819200xi32, #tpu.memory_space<hbm>> -> memref<12800xi32, #tpu.memory_space<hbm>>
    %dma_start3A_753 = tpu.memref_slice %arg2[%add3A_751] : memref<819200xi32, #tpu.memory_space<hbm>> -> memref<12800xi32, #tpu.memory_space<hbm>>
    tpu.enqueue_dma source(%dma_start3A_753 : memref<12800xi32, #tpu.memory_space<hbm>>) target(%arg6 : memref<12800xi32, #tpu.memory_space<vmem>>) target_semaphore(%arg15 : memref<!tpu.dma_semaphore, #tpu.memory_space<semaphore_mem>>)
    %dma_wait3A_754 = tpu.memref_slice %arg2[%mul3A_2] : memref<819200xi32, #tpu.memory_space<hbm>> -> memref<12800xi32, #tpu.memory_space<hbm>>
    %dma_wait3A_755 = tpu.memref_slice %arg2[%mul3A_2] : memref<819200xi32, #tpu.memory_space<hbm>> -> memref<12800xi32, #tpu.memory_space<hbm>>
    tpu.wait_dma2 semaphore(%arg14 : memref<!tpu.dma_semaphore, #tpu.memory_space<semaphore_mem>>) src(%dma_wait3A_755 : memref<12800xi32, #tpu.memory_space<hbm>>) dst(%arg5 : memref<12800xi32, #tpu.memory_space<vmem>>)
    %scan3A = arith.constant 0 : i32
    %scan3A_756 = arith.constant 100 : i32
    %scan3A_757 = arith.addi %scan3A, %scan3A_756 : i32
    %scan3A_758 = arith.constant 1 : i32
    %scan3A_759:8 = scf.for %scan3A_781 = %scan3A to %scan3A_757 step %scan3A_758 iter_args(%scan3A_782 = %broadcast_in_dim3A_735, %scan3A_783 = %broadcast_in_dim3A_737, %scan3A_784 = %broadcast_in_dim3A_739, %scan3A_785 = %broadcast_in_dim3A_741, %scan3A_786 = %broadcast_in_dim3A_743, %scan3A_787 = %broadcast_in_dim3A_745, %scan3A_788 = %broadcast_in_dim3A_747, %scan3A_789 = %broadcast_in_dim3A_749) -> (vector<16xf32>, vector<16xf32>, vector<16xf32>, vector<16xf32>, vector<16xf32>, vector<16xf32>, vector<16xf32>, vector<16xf32>)  : i32 {
      %mul3A_790 = arith.constant 8 : i32
      %mul3A_791 = arith.muli %scan3A_781, %mul3A_790 : i32
      %add3A_792 = arith.constant 0 : i32
      %add3A_793 = arith.addi %mul3A_791, %add3A_792 : i32
      %mul3A_794 = arith.constant 16 : i32
      %mul3A_795 = arith.muli %add3A_793, %mul3A_794 : i32
      %get3A_796 = arith.index_cast %mul3A_795 : i32 to index
      %get3A_797 = tpu.vector_load %arg5[%get3A_796] {strides = array<i32>} : memref<12800xi32, #tpu.memory_space<vmem>>, vector<16xi32>,
      %gather3A = tpu.vector_load_idx %arg9[%get3A_797] : memref<2048xf32, #tpu.memory_space<vmem>>[vector<16xi32>], vector<16xf32>,
      %add3A_798 = arith.addf %scan3A_782, %gather3A : vector<16xf32>
      %mul3A_799 = arith.constant 8 : i32
      %mul3A_800 = arith.muli %scan3A_781, %mul3A_799 : i32
      %add3A_801 = arith.constant 1 : i32
      %add3A_802 = arith.addi %mul3A_800, %add3A_801 : i32
      %mul3A_803 = arith.constant 16 : i32
      %mul3A_804 = arith.muli %add3A_802, %mul3A_803 : i32
      %get3A_805 = arith.index_cast %mul3A_804 : i32 to index
      %get3A_806 = tpu.vector_load %arg5[%get3A_805] {strides = array<i32>} : memref<12800xi32, #tpu.memory_space<vmem>>, vector<16xi32>,
      %gather3A_807 = tpu.vector_load_idx %arg9[%get3A_806] : memref<2048xf32, #tpu.memory_space<vmem>>[vector<16xi32>], vector<16xf32>,
      %add3A_808 = arith.addf %scan3A_783, %gather3A_807 : vector<16xf32>
      %mul3A_809 = arith.constant 8 : i32
      %mul3A_810 = arith.muli %scan3A_781, %mul3A_809 : i32
      %add3A_811 = arith.constant 2 : i32
      %add3A_812 = arith.addi %mul3A_810, %add3A_811 : i32
      %mul3A_813 = arith.constant 16 : i32
      %mul3A_814 = arith.muli %add3A_812, %mul3A_813 : i32
      %get3A_815 = arith.index_cast %mul3A_814 : i32 to index
      %get3A_816 = tpu.vector_load %arg5[%get3A_815] {strides = array<i32>} : memref<12800xi32, #tpu.memory_space<vmem>>, vector<16xi32>,
      %gather3A_817 = tpu.vector_load_idx %arg9[%get3A_816] : memref<2048xf32, #tpu.memory_space<vmem>>[vector<16xi32>], vector<16xf32>,
      %add3A_818 = arith.addf %scan3A_784, %gather3A_817 : vector<16xf32>
      %mul3A_819 = arith.constant 8 : i32
      %mul3A_820 = arith.muli %scan3A_781, %mul3A_819 : i32
      %add3A_821 = arith.constant 3 : i32
      %add3A_822 = arith.addi %mul3A_820, %add3A_821 : i32
      %mul3A_823 = arith.constant 16 : i32
      %mul3A_824 = arith.muli %add3A_822, %mul3A_823 : i32
      %get3A_825 = arith.index_cast %mul3A_824 : i32 to index
      %get3A_826 = tpu.vector_load %arg5[%get3A_825] {strides = array<i32>} : memref<12800xi32, #tpu.memory_space<vmem>>, vector<16xi32>,
      %gather3A_827 = tpu.vector_load_idx %arg9[%get3A_826] : memref<2048xf32, #tpu.memory_space<vmem>>[vector<16xi32>], vector<16xf32>,
      %add3A_828 = arith.addf %scan3A_785, %gather3A_827 : vector<16xf32>
      %mul3A_829 = arith.constant 8 : i32
      %mul3A_830 = arith.muli %scan3A_781, %mul3A_829 : i32
      %add3A_831 = arith.constant 4 : i32
      %add3A_832 = arith.addi %mul3A_830, %add3A_831 : i32
      %mul3A_833 = arith.constant 16 : i32
      %mul3A_834 = arith.muli %add3A_832, %mul3A_833 : i32
      %get3A_835 = arith.index_cast %mul3A_834 : i32 to index
      %get3A_836 = tpu.vector_load %arg5[%get3A_835] {strides = array<i32>} : memref<12800xi32, #tpu.memory_space<vmem>>, vector<16xi32>,
      %gather3A_837 = tpu.vector_load_idx %arg9[%get3A_836] : memref<2048xf32, #tpu.memory_space<vmem>>[vector<16xi32>], vector<16xf32>,
      %add3A_838 = arith.addf %scan3A_786, %gather3A_837 : vector<16xf32>
      %mul3A_839 = arith.constant 8 : i32
      %mul3A_840 = arith.muli %scan3A_781, %mul3A_839 : i32
      %add3A_841 = arith.constant 5 : i32
      %add3A_842 = arith.addi %mul3A_840, %add3A_841 : i32
      %mul3A_843 = arith.constant 16 : i32
      %mul3A_844 = arith.muli %add3A_842, %mul3A_843 : i32
      %get3A_845 = arith.index_cast %mul3A_844 : i32 to index
      %get3A_846 = tpu.vector_load %arg5[%get3A_845] {strides = array<i32>} : memref<12800xi32, #tpu.memory_space<vmem>>, vector<16xi32>,
      %gather3A_847 = tpu.vector_load_idx %arg9[%get3A_846] : memref<2048xf32, #tpu.memory_space<vmem>>[vector<16xi32>], vector<16xf32>,
      %add3A_848 = arith.addf %scan3A_787, %gather3A_847 : vector<16xf32>
      %mul3A_849 = arith.constant 8 : i32
      %mul3A_850 = arith.muli %scan3A_781, %mul3A_849 : i32
      %add3A_851 = arith.constant 6 : i32
      %add3A_852 = arith.addi %mul3A_850, %add3A_851 : i32
      %mul3A_853 = arith.constant 16 : i32
      %mul3A_854 = arith.muli %add3A_852, %mul3A_853 : i32
      %get3A_855 = arith.index_cast %mul3A_854 : i32 to index
      %get3A_856 = tpu.vector_load %arg5[%get3A_855] {strides = array<i32>} : memref<12800xi32, #tpu.memory_space<vmem>>, vector<16xi32>,
      %gather3A_857 = tpu.vector_load_idx %arg9[%get3A_856] : memref<2048xf32, #tpu.memory_space<vmem>>[vector<16xi32>], vector<16xf32>,
      %add3A_858 = arith.addf %scan3A_788, %gather3A_857 : vector<16xf32>
      %mul3A_859 = arith.constant 8 : i32
      %mul3A_860 = arith.muli %scan3A_781, %mul3A_859 : i32
      %add3A_861 = arith.constant 7 : i32
      %add3A_862 = arith.addi %mul3A_860, %add3A_861 : i32
      %mul3A_863 = arith.constant 16 : i32
      %mul3A_864 = arith.muli %add3A_862, %mul3A_863 : i32
      %get3A_865 = arith.index_cast %mul3A_864 : i32 to index
      %get3A_866 = tpu.vector_load %arg5[%get3A_865] {strides = array<i32>} : memref<12800xi32, #tpu.memory_space<vmem>>, vector<16xi32>,
      %gather3A_867 = tpu.vector_load_idx %arg9[%get3A_866] : memref<2048xf32, #tpu.memory_space<vmem>>[vector<16xi32>], vector<16xf32>,
      %add3A_868 = arith.addf %scan3A_789, %gather3A_867 : vector<16xf32>
      scf.yield %add3A_798, %add3A_808, %add3A_818, %add3A_828, %add3A_838, %add3A_848, %add3A_858, %add3A_868 : vector<16xf32>, vector<16xf32>, vector<16xf32>, vector<16xf32>, vector<16xf32>, vector<16xf32>, vector<16xf32>, vector<16xf32>
    }
    %scan3A_760 = arith.constant 100 : i32
    %dma_wait3A_761 = tpu.memref_slice %arg2[%add3A_751] : memref<819200xi32, #tpu.memory_space<hbm>> -> memref<12800xi32, #tpu.memory_space<hbm>>
    %dma_wait3A_762 = tpu.memref_slice %arg2[%add3A_751] : memref<819200xi32, #tpu.memory_space<hbm>> -> memref<12800xi32, #tpu.memory_space<hbm>>
    tpu.wait_dma2 semaphore(%arg15 : memref<!tpu.dma_semaphore, #tpu.memory_space<semaphore_mem>>) src(%dma_wait3A_762 : memref<12800xi32, #tpu.memory_space<hbm>>) dst(%arg6 : memref<12800xi32, #tpu.memory_space<vmem>>)
    %scan3A_763 = arith.constant 0 : i32
    %scan3A_764 = arith.constant 100 : i32
    %scan3A_765 = arith.addi %scan3A_763, %scan3A_764 : i32
    %scan3A_766 = arith.constant 1 : i32
    %scan3A_767:8 = scf.for %scan3A_781 = %scan3A_763 to %scan3A_765 step %scan3A_766 iter_args(%scan3A_782 = %scan3A_759#0, %scan3A_783 = %scan3A_759#1, %scan3A_784 = %scan3A_759#2, %scan3A_785 = %scan3A_759#3, %scan3A_786 = %scan3A_759#4, %scan3A_787 = %scan3A_759#5, %scan3A_788 = %scan3A_759#6, %scan3A_789 = %scan3A_759#7) -> (vector<16xf32>, vector<16xf32>, vector<16xf32>, vector<16xf32>, vector<16xf32>, vector<16xf32>, vector<16xf32>, vector<16xf32>)  : i32 {
      %mul3A_790 = arith.constant 8 : i32
      %mul3A_791 = arith.muli %scan3A_781, %mul3A_790 : i32
      %add3A_792 = arith.constant 0 : i32
      %add3A_793 = arith.addi %mul3A_791, %add3A_792 : i32
      %mul3A_794 = arith.constant 16 : i32
      %mul3A_795 = arith.muli %add3A_793, %mul3A_794 : i32
      %get3A_796 = arith.index_cast %mul3A_795 : i32 to index
      %get3A_797 = tpu.vector_load %arg6[%get3A_796] {strides = array<i32>} : memref<12800xi32, #tpu.memory_space<vmem>>, vector<16xi32>,
      %gather3A = tpu.vector_load_idx %arg9[%get3A_797] : memref<2048xf32, #tpu.memory_space<vmem>>[vector<16xi32>], vector<16xf32>,
      %add3A_798 = arith.addf %scan3A_782, %gather3A : vector<16xf32>
      %mul3A_799 = arith.constant 8 : i32
      %mul3A_800 = arith.muli %scan3A_781, %mul3A_799 : i32
      %add3A_801 = arith.constant 1 : i32
      %add3A_802 = arith.addi %mul3A_800, %add3A_801 : i32
      %mul3A_803 = arith.constant 16 : i32
      %mul3A_804 = arith.muli %add3A_802, %mul3A_803 : i32
      %get3A_805 = arith.index_cast %mul3A_804 : i32 to index
      %get3A_806 = tpu.vector_load %arg6[%get3A_805] {strides = array<i32>} : memref<12800xi32, #tpu.memory_space<vmem>>, vector<16xi32>,
      %gather3A_807 = tpu.vector_load_idx %arg9[%get3A_806] : memref<2048xf32, #tpu.memory_space<vmem>>[vector<16xi32>], vector<16xf32>,
      %add3A_808 = arith.addf %scan3A_783, %gather3A_807 : vector<16xf32>
      %mul3A_809 = arith.constant 8 : i32
      %mul3A_810 = arith.muli %scan3A_781, %mul3A_809 : i32
      %add3A_811 = arith.constant 2 : i32
      %add3A_812 = arith.addi %mul3A_810, %add3A_811 : i32
      %mul3A_813 = arith.constant 16 : i32
      %mul3A_814 = arith.muli %add3A_812, %mul3A_813 : i32
      %get3A_815 = arith.index_cast %mul3A_814 : i32 to index
      %get3A_816 = tpu.vector_load %arg6[%get3A_815] {strides = array<i32>} : memref<12800xi32, #tpu.memory_space<vmem>>, vector<16xi32>,
      %gather3A_817 = tpu.vector_load_idx %arg9[%get3A_816] : memref<2048xf32, #tpu.memory_space<vmem>>[vector<16xi32>], vector<16xf32>,
      %add3A_818 = arith.addf %scan3A_784, %gather3A_817 : vector<16xf32>
      %mul3A_819 = arith.constant 8 : i32
      %mul3A_820 = arith.muli %scan3A_781, %mul3A_819 : i32
      %add3A_821 = arith.constant 3 : i32
      %add3A_822 = arith.addi %mul3A_820, %add3A_821 : i32
      %mul3A_823 = arith.constant 16 : i32
      %mul3A_824 = arith.muli %add3A_822, %mul3A_823 : i32
      %get3A_825 = arith.index_cast %mul3A_824 : i32 to index
      %get3A_826 = tpu.vector_load %arg6[%get3A_825] {strides = array<i32>} : memref<12800xi32, #tpu.memory_space<vmem>>, vector<16xi32>,
      %gather3A_827 = tpu.vector_load_idx %arg9[%get3A_826] : memref<2048xf32, #tpu.memory_space<vmem>>[vector<16xi32>], vector<16xf32>,
      %add3A_828 = arith.addf %scan3A_785, %gather3A_827 : vector<16xf32>
      %mul3A_829 = arith.constant 8 : i32
      %mul3A_830 = arith.muli %scan3A_781, %mul3A_829 : i32
      %add3A_831 = arith.constant 4 : i32
      %add3A_832 = arith.addi %mul3A_830, %add3A_831 : i32
      %mul3A_833 = arith.constant 16 : i32
      %mul3A_834 = arith.muli %add3A_832, %mul3A_833 : i32
      %get3A_835 = arith.index_cast %mul3A_834 : i32 to index
      %get3A_836 = tpu.vector_load %arg6[%get3A_835] {strides = array<i32>} : memref<12800xi32, #tpu.memory_space<vmem>>, vector<16xi32>,
      %gather3A_837 = tpu.vector_load_idx %arg9[%get3A_836] : memref<2048xf32, #tpu.memory_space<vmem>>[vector<16xi32>], vector<16xf32>,
      %add3A_838 = arith.addf %scan3A_786, %gather3A_837 : vector<16xf32>
      %mul3A_839 = arith.constant 8 : i32
      %mul3A_840 = arith.muli %scan3A_781, %mul3A_839 : i32
      %add3A_841 = arith.constant 5 : i32
      %add3A_842 = arith.addi %mul3A_840, %add3A_841 : i32
      %mul3A_843 = arith.constant 16 : i32
      %mul3A_844 = arith.muli %add3A_842, %mul3A_843 : i32
      %get3A_845 = arith.index_cast %mul3A_844 : i32 to index
      %get3A_846 = tpu.vector_load %arg6[%get3A_845] {strides = array<i32>} : memref<12800xi32, #tpu.memory_space<vmem>>, vector<16xi32>,
      %gather3A_847 = tpu.vector_load_idx %arg9[%get3A_846] : memref<2048xf32, #tpu.memory_space<vmem>>[vector<16xi32>], vector<16xf32>,
      %add3A_848 = arith.addf %scan3A_787, %gather3A_847 : vector<16xf32>
      %mul3A_849 = arith.constant 8 : i32
      %mul3A_850 = arith.muli %scan3A_781, %mul3A_849 : i32
      %add3A_851 = arith.constant 6 : i32
      %add3A_852 = arith.addi %mul3A_850, %add3A_851 : i32
      %mul3A_853 = arith.constant 16 : i32
      %mul3A_854 = arith.muli %add3A_852, %mul3A_853 : i32
      %get3A_855 = arith.index_cast %mul3A_854 : i32 to index
      %get3A_856 = tpu.vector_load %arg6[%get3A_855] {strides = array<i32>} : memref<12800xi32, #tpu.memory_space<vmem>>, vector<16xi32>,
      %gather3A_857 = tpu.vector_load_idx %arg9[%get3A_856] : memref<2048xf32, #tpu.memory_space<vmem>>[vector<16xi32>], vector<16xf32>,
      %add3A_858 = arith.addf %scan3A_788, %gather3A_857 : vector<16xf32>
      %mul3A_859 = arith.constant 8 : i32
      %mul3A_860 = arith.muli %scan3A_781, %mul3A_859 : i32
      %add3A_861 = arith.constant 7 : i32
      %add3A_862 = arith.addi %mul3A_860, %add3A_861 : i32
      %mul3A_863 = arith.constant 16 : i32
      %mul3A_864 = arith.muli %add3A_862, %mul3A_863 : i32
      %get3A_865 = arith.index_cast %mul3A_864 : i32 to index
      %get3A_866 = tpu.vector_load %arg6[%get3A_865] {strides = array<i32>} : memref<12800xi32, #tpu.memory_space<vmem>>, vector<16xi32>,
      %gather3A_867 = tpu.vector_load_idx %arg9[%get3A_866] : memref<2048xf32, #tpu.memory_space<vmem>>[vector<16xi32>], vector<16xf32>,
      %add3A_868 = arith.addf %scan3A_789, %gather3A_867 : vector<16xf32>
      scf.yield %add3A_798, %add3A_808, %add3A_818, %add3A_828, %add3A_838, %add3A_848, %add3A_858, %add3A_868 : vector<16xf32>, vector<16xf32>, vector<16xf32>, vector<16xf32>, vector<16xf32>, vector<16xf32>, vector<16xf32>, vector<16xf32>
    }
    %scan3A_768 = arith.constant 100 : i32
    %add3A_769 = arith.addf %scan3A_767#0, %scan3A_767#1 : vector<16xf32>
    %add3A_770 = arith.addf %add3A_769, %scan3A_767#2 : vector<16xf32>
    %add3A_771 = arith.addf %add3A_770, %scan3A_767#3 : vector<16xf32>
    %add3A_772 = arith.addf %add3A_771, %scan3A_767#4 : vector<16xf32>
    %add3A_773 = arith.addf %add3A_772, %scan3A_767#5 : vector<16xf32>
    %add3A_774 = arith.addf %add3A_773, %scan3A_767#6 : vector<16xf32>
    %add3A_775 = arith.addf %add3A_774, %scan3A_767#7 : vector<16xf32>
    %swap3A_776 = arith.constant 0 : index
    %swap3A_777 = tpu.vector_load %arg10[%swap3A_776] {strides = array<i32>} : memref<16xf32, #tpu.memory_space<vmem>>, vector<16xf32>,
    tpu.vector_store %arg10[%swap3A_776], %add3A_775 {strides = array<i32>} : memref<16xf32, #tpu.memory_space<vmem>>, vector<16xf32>,
    "tpu.region"() ({
      %run_scoped3A = tpu.sem_alloc : memref<!tpu.dma_semaphore, #tpu.memory_space<semaphore_mem>>
      %dma_start3A_781 = arith.constant 0 : i32
      %dma_start3A_782 = tpu.memref_slice %arg13[%arg1, %dma_start3A_781] : memref<16x16xf32, #tpu.memory_space<vmem_shared>> -> memref<1x16xf32, #tpu.memory_space<vmem_shared>>
      %dma_start3A_783 = tpu.memref_squeeze %dma_start3A_782 : memref<1x16xf32, #tpu.memory_space<vmem_shared>> -> memref<16xf32, #tpu.memory_space<vmem_shared>>
      %dma_start3A_784 = arith.constant 0 : i32
      %dma_start3A_785 = tpu.memref_slice %arg13[%arg1, %dma_start3A_784] : memref<16x16xf32, #tpu.memory_space<vmem_shared>> -> memref<1x16xf32, #tpu.memory_space<vmem_shared>>
      %dma_start3A_786 = tpu.memref_squeeze %dma_start3A_785 : memref<1x16xf32, #tpu.memory_space<vmem_shared>> -> memref<16xf32, #tpu.memory_space<vmem_shared>>
      tpu.enqueue_dma source(%arg10 : memref<16xf32, #tpu.memory_space<vmem>>) target(%dma_start3A_786 : memref<16xf32, #tpu.memory_space<vmem_shared>>) target_semaphore(%run_scoped3A : memref<!tpu.dma_semaphore, #tpu.memory_space<semaphore_mem>>)
      %dma_wait3A_787 = arith.constant 0 : i32
      %dma_wait3A_788 = tpu.memref_slice %arg13[%arg1, %dma_wait3A_787] : memref<16x16xf32, #tpu.memory_space<vmem_shared>> -> memref<1x16xf32, #tpu.memory_space<vmem_shared>>
      %dma_wait3A_789 = tpu.memref_squeeze %dma_wait3A_788 : memref<1x16xf32, #tpu.memory_space<vmem_shared>> -> memref<16xf32, #tpu.memory_space<vmem_shared>>
      %dma_wait3A_790 = arith.constant 0 : i32
      %dma_wait3A_791 = tpu.memref_slice %arg13[%arg1, %dma_wait3A_790] : memref<16x16xf32, #tpu.memory_space<vmem_shared>> -> memref<1x16xf32, #tpu.memory_space<vmem_shared>>
      %dma_wait3A_792 = tpu.memref_squeeze %dma_wait3A_791 : memref<1x16xf32, #tpu.memory_space<vmem_shared>> -> memref<16xf32, #tpu.memory_space<vmem_shared>>
      tpu.wait_dma2 semaphore(%run_scoped3A : memref<!tpu.dma_semaphore, #tpu.memory_space<semaphore_mem>>) src(%arg10 : memref<16xf32, #tpu.memory_space<vmem>>) dst(%dma_wait3A_792 : memref<16xf32, #tpu.memory_space<vmem_shared>>)
      tpu.yield
    }) : () -> ()
    %barrier3A_778 = arith.constant 0 : index
    tpu.barrier barrier_id(%barrier3A_778)
    %eq3A = arith.constant 0 : i32
    %eq3A_779 = arith.cmpi eq, %arg1, %eq3A : i32
    %convert_element_type3A = arith.extui %eq3A_779 : i1 to i32
    %cond3A = arith.constant 0 : i32
    %cond3A_780 = arith.cmpi ne, %convert_element_type3A, %cond3A : i32
    scf.if %cond3A_780 {
      "tpu.region"() ({
        %run_scoped3A = tpu.sem_alloc : memref<!tpu.dma_semaphore, #tpu.memory_space<semaphore_mem>>
        tpu.enqueue_dma source(%arg13 : memref<16x16xf32, #tpu.memory_space<vmem_shared>>) target(%arg11 : memref<16x16xf32, #tpu.memory_space<vmem>>) target_semaphore(%run_scoped3A : memref<!tpu.dma_semaphore, #tpu.memory_space<semaphore_mem>>)
        tpu.wait_dma2 semaphore(%run_scoped3A : memref<!tpu.dma_semaphore, #tpu.memory_space<semaphore_mem>>) src(%arg13 : memref<16x16xf32, #tpu.memory_space<vmem_shared>>) dst(%arg11 : memref<16x16xf32, #tpu.memory_space<vmem>>)
        tpu.yield
      }) : () -> ()
      %get3A_781 = arith.constant 0 : i32
      %get3A_782 = arith.index_cast %get3A_781 : i32 to index
      %get3A_783 = arith.constant 0 : index
      %get3A_784 = tpu.vector_load %arg11[%get3A_782, %get3A_783] {strides = array<i32>} : memref<16x16xf32, #tpu.memory_space<vmem>>, vector<16xf32>,
      %get3A_785 = arith.constant 1 : i32
      %get3A_786 = arith.index_cast %get3A_785 : i32 to index
      %get3A_787 = arith.constant 0 : index
      %get3A_788 = tpu.vector_load %arg11[%get3A_786, %get3A_787] {strides = array<i32>} : memref<16x16xf32, #tpu.memory_space<vmem>>, vector<16xf32>,
      %add3A_789 = arith.addf %get3A_784, %get3A_788 : vector<16xf32>
      %get3A_790 = arith.constant 2 : i32
      %get3A_791 = arith.index_cast %get3A_790 : i32 to index
      %get3A_792 = arith.constant 0 : index
      %get3A_793 = tpu.vector_load %arg11[%get3A_791, %get3A_792] {strides = array<i32>} : memref<16x16xf32, #tpu.memory_space<vmem>>, vector<16xf32>,
      %add3A_794 = arith.addf %add3A_789, %get3A_793 : vector<16xf32>
      %get3A_795 = arith.constant 3 : i32
      %get3A_796 = arith.index_cast %get3A_795 : i32 to index
      %get3A_797 = arith.constant 0 : index
      %get3A_798 = tpu.vector_load %arg11[%get3A_796, %get3A_797] {strides = array<i32>} : memref<16x16xf32, #tpu.memory_space<vmem>>, vector<16xf32>,
      %add3A_799 = arith.addf %add3A_794, %get3A_798 : vector<16xf32>
      %get3A_800 = arith.constant 4 : i32
      %get3A_801 = arith.index_cast %get3A_800 : i32 to index
      %get3A_802 = arith.constant 0 : index
      %get3A_803 = tpu.vector_load %arg11[%get3A_801, %get3A_802] {strides = array<i32>} : memref<16x16xf32, #tpu.memory_space<vmem>>, vector<16xf32>,
      %add3A_804 = arith.addf %add3A_799, %get3A_803 : vector<16xf32>
      %get3A_805 = arith.constant 5 : i32
      %get3A_806 = arith.index_cast %get3A_805 : i32 to index
      %get3A_807 = arith.constant 0 : index
      %get3A_808 = tpu.vector_load %arg11[%get3A_806, %get3A_807] {strides = array<i32>} : memref<16x16xf32, #tpu.memory_space<vmem>>, vector<16xf32>,
      %add3A_809 = arith.addf %add3A_804, %get3A_808 : vector<16xf32>
      %get3A_810 = arith.constant 6 : i32
      %get3A_811 = arith.index_cast %get3A_810 : i32 to index
      %get3A_812 = arith.constant 0 : index
      %get3A_813 = tpu.vector_load %arg11[%get3A_811, %get3A_812] {strides = array<i32>} : memref<16x16xf32, #tpu.memory_space<vmem>>, vector<16xf32>,
      %add3A_814 = arith.addf %add3A_809, %get3A_813 : vector<16xf32>
      %get3A_815 = arith.constant 7 : i32
      %get3A_816 = arith.index_cast %get3A_815 : i32 to index
      %get3A_817 = arith.constant 0 : index
      %get3A_818 = tpu.vector_load %arg11[%get3A_816, %get3A_817] {strides = array<i32>} : memref<16x16xf32, #tpu.memory_space<vmem>>, vector<16xf32>,
      %add3A_819 = arith.addf %add3A_814, %get3A_818 : vector<16xf32>
      %get3A_820 = arith.constant 8 : i32
      %get3A_821 = arith.index_cast %get3A_820 : i32 to index
      %get3A_822 = arith.constant 0 : index
      %get3A_823 = tpu.vector_load %arg11[%get3A_821, %get3A_822] {strides = array<i32>} : memref<16x16xf32, #tpu.memory_space<vmem>>, vector<16xf32>,
      %add3A_824 = arith.addf %add3A_819, %get3A_823 : vector<16xf32>
      %get3A_825 = arith.constant 9 : i32
      %get3A_826 = arith.index_cast %get3A_825 : i32 to index
      %get3A_827 = arith.constant 0 : index
      %get3A_828 = tpu.vector_load %arg11[%get3A_826, %get3A_827] {strides = array<i32>} : memref<16x16xf32, #tpu.memory_space<vmem>>, vector<16xf32>,
      %add3A_829 = arith.addf %add3A_824, %get3A_828 : vector<16xf32>
      %get3A_830 = arith.constant 10 : i32
      %get3A_831 = arith.index_cast %get3A_830 : i32 to index
      %get3A_832 = arith.constant 0 : index
      %get3A_833 = tpu.vector_load %arg11[%get3A_831, %get3A_832] {strides = array<i32>} : memref<16x16xf32, #tpu.memory_space<vmem>>, vector<16xf32>,
      %add3A_834 = arith.addf %add3A_829, %get3A_833 : vector<16xf32>
      %get3A_835 = arith.constant 11 : i32
      %get3A_836 = arith.index_cast %get3A_835 : i32 to index
      %get3A_837 = arith.constant 0 : index
      %get3A_838 = tpu.vector_load %arg11[%get3A_836, %get3A_837] {strides = array<i32>} : memref<16x16xf32, #tpu.memory_space<vmem>>, vector<16xf32>,
      %add3A_839 = arith.addf %add3A_834, %get3A_838 : vector<16xf32>
      %get3A_840 = arith.constant 12 : i32
      %get3A_841 = arith.index_cast %get3A_840 : i32 to index
      %get3A_842 = arith.constant 0 : index
      %get3A_843 = tpu.vector_load %arg11[%get3A_841, %get3A_842] {strides = array<i32>} : memref<16x16xf32, #tpu.memory_space<vmem>>, vector<16xf32>,
      %add3A_844 = arith.addf %add3A_839, %get3A_843 : vector<16xf32>
      %get3A_845 = arith.constant 13 : i32
      %get3A_846 = arith.index_cast %get3A_845 : i32 to index
      %get3A_847 = arith.constant 0 : index
      %get3A_848 = tpu.vector_load %arg11[%get3A_846, %get3A_847] {strides = array<i32>} : memref<16x16xf32, #tpu.memory_space<vmem>>, vector<16xf32>,
      %add3A_849 = arith.addf %add3A_844, %get3A_848 : vector<16xf32>
      %get3A_850 = arith.constant 14 : i32
      %get3A_851 = arith.index_cast %get3A_850 : i32 to index
      %get3A_852 = arith.constant 0 : index
      %get3A_853 = tpu.vector_load %arg11[%get3A_851, %get3A_852] {strides = array<i32>} : memref<16x16xf32, #tpu.memory_space<vmem>>, vector<16xf32>,
      %add3A_854 = arith.addf %add3A_849, %get3A_853 : vector<16xf32>
      %get3A_855 = arith.constant 15 : i32
      %get3A_856 = arith.index_cast %get3A_855 : i32 to index
      %get3A_857 = arith.constant 0 : index
      %get3A_858 = tpu.vector_load %arg11[%get3A_856, %get3A_857] {strides = array<i32>} : memref<16x16xf32, #tpu.memory_space<vmem>>, vector<16xf32>,
      %add3A_859 = arith.addf %add3A_854, %get3A_858 : vector<16xf32>
      %swap3A_860 = arith.constant 0 : index
      %swap3A_861 = tpu.vector_load %arg10[%swap3A_860] {strides = array<i32>} : memref<16xf32, #tpu.memory_space<vmem>>, vector<16xf32>,
      tpu.vector_store %arg10[%swap3A_860], %add3A_859 {strides = array<i32>} : memref<16xf32, #tpu.memory_space<vmem>>, vector<16xf32>,
      "tpu.region"() ({
        %run_scoped3A = tpu.sem_alloc : memref<!tpu.dma_semaphore, #tpu.memory_space<semaphore_mem>>
        %dma_start3A_862 = arith.constant 0 : i32
        %dma_start3A_863 = tpu.memref_slice %arg4[%arg0, %dma_start3A_862] : memref<2x16xf32, #tpu.memory_space<hbm>> -> memref<1x16xf32, #tpu.memory_space<hbm>>
        %dma_start3A_864 = tpu.memref_squeeze %dma_start3A_863 : memref<1x16xf32, #tpu.memory_space<hbm>> -> memref<16xf32, #tpu.memory_space<hbm>>
        %dma_start3A_865 = arith.constant 0 : i32
        %dma_start3A_866 = tpu.memref_slice %arg4[%arg0, %dma_start3A_865] : memref<2x16xf32, #tpu.memory_space<hbm>> -> memref<1x16xf32, #tpu.memory_space<hbm>>
        %dma_start3A_867 = tpu.memref_squeeze %dma_start3A_866 : memref<1x16xf32, #tpu.memory_space<hbm>> -> memref<16xf32, #tpu.memory_space<hbm>>
        tpu.enqueue_dma source(%arg10 : memref<16xf32, #tpu.memory_space<vmem>>) target(%dma_start3A_867 : memref<16xf32, #tpu.memory_space<hbm>>) target_semaphore(%run_scoped3A : memref<!tpu.dma_semaphore, #tpu.memory_space<semaphore_mem>>)
        %dma_wait3A_868 = arith.constant 0 : i32
        %dma_wait3A_869 = tpu.memref_slice %arg4[%arg0, %dma_wait3A_868] : memref<2x16xf32, #tpu.memory_space<hbm>> -> memref<1x16xf32, #tpu.memory_space<hbm>>
        %dma_wait3A_870 = tpu.memref_squeeze %dma_wait3A_869 : memref<1x16xf32, #tpu.memory_space<hbm>> -> memref<16xf32, #tpu.memory_space<hbm>>
        %dma_wait3A_871 = arith.constant 0 : i32
        %dma_wait3A_872 = tpu.memref_slice %arg4[%arg0, %dma_wait3A_871] : memref<2x16xf32, #tpu.memory_space<hbm>> -> memref<1x16xf32, #tpu.memory_space<hbm>>
        %dma_wait3A_873 = tpu.memref_squeeze %dma_wait3A_872 : memref<1x16xf32, #tpu.memory_space<hbm>> -> memref<16xf32, #tpu.memory_space<hbm>>
        tpu.wait_dma2 semaphore(%run_scoped3A : memref<!tpu.dma_semaphore, #tpu.memory_space<semaphore_mem>>) src(%arg10 : memref<16xf32, #tpu.memory_space<vmem>>) dst(%dma_wait3A_873 : memref<16xf32, #tpu.memory_space<hbm>>)
        tpu.yield
      }) : () -> ()
    } else {
    }
    return
  }
}

module attributes {stable_mosaic.version = 14 : i64} {
  func.func @_finalize_body(%arg0: memref<2x16xf32, #tpu.memory_space<vmem>>, %arg1: memref<1x1xf32, #tpu.memory_space<vmem>>) attributes {dimension_semantics = [], scalar_prefetch = 0 : i64, scratch_operands = 0 : i64, tpu.core_type = #tpu.core_type<tc>} {
    %get3A = arith.constant 0 : index
    %get3A_0 = arith.constant 0 : index
    %get3A_1 = vector.load %arg0[%get3A, %get3A_0] : memref<2x16xf32, #tpu.memory_space<vmem>>, vector<2x16xf32>
    %reduce_sum3A = vector.shape_cast %get3A_1 : vector<2x16xf32> to vector<1x2x16xf32>
    %reduce_sum3A_2 = arith.constant dense<0.000000e+00> : vector<1xf32>
    %reduce_sum3A_3 = vector.multi_reduction <add>, %reduce_sum3A, %reduce_sum3A_2 [1, 2] : vector<1x2x16xf32> to vector<1xf32>
    %reduce_sum3A_4 = vector.shape_cast %reduce_sum3A_3 : vector<1xf32> to vector<1x1x1xf32>
    %reduce_sum3A_5 = vector.extract %reduce_sum3A_4[0, 0, 0] : f32 from vector<1x1x1xf32>
    %broadcast_in_dim3A = vector.broadcast %reduce_sum3A_5 : f32 to vector<1x1xf32>
    %mul3A = arith.constant 6.424753E-8 : f32
    %mul3A_6 = vector.broadcast %mul3A : f32 to vector<1x1xf32>
    %mul3A_7 = arith.mulf %broadcast_in_dim3A, %mul3A_6 : vector<1x1xf32>
    %logistic3A = arith.negf %mul3A_7 : vector<1x1xf32>
    %logistic3A_8 = math.exp %logistic3A : vector<1x1xf32>
    %logistic3A_9 = arith.constant 1.000000e+00 : f32
    %logistic3A_10 = vector.broadcast %logistic3A_9 : f32 to vector<1x1xf32>
    %logistic3A_11 = arith.addf %logistic3A_10, %logistic3A_8 : vector<1x1xf32>
    %logistic3A_12 = arith.divf %logistic3A_10, %logistic3A_11 : vector<1x1xf32>
    %swap3A = arith.constant 0 : index
    %swap3A_13 = arith.constant 0 : index
    %swap3A_14 = vector.load %arg1[%swap3A, %swap3A_13] : memref<1x1xf32, #tpu.memory_space<vmem>>, vector<1x1xf32>
    tpu.vector_store %arg1[%swap3A, %swap3A_13], %logistic3A_12 {strides = array<i32>} : memref<1x1xf32, #tpu.memory_space<vmem>>, vector<1x1xf32>,
    return
  }
}

</mosaic_0001>

<sc_bundles>
// kernel: kernel.4.cloned.1.call-start
scs
__scs_entry_jumppad:
0x0: {  	(pc) =	sbr.rel $0x88, $3  }
0x1: {  	(tag) =	ssettag $0x0;
	lr =	simm.s32 $0x1  }
0x2: {  	[smem:$0x3F9F] =	sst lr;
	_ =	strace $0xD0000000  }
0x3: {  	_ = 	snop  }
0x4: {  	_ = 	snop  }
0x5: {  	_ = 	snop  }
0x6: {  	_ = 	snop  }
0x7: {  	_ = 	snop  }
__scs_overlays_trampoline_lowered:
0x8: {  	[smem:$0x3FAE] =	sst s0  }
0x9: {  	[smem:$0x3FAF] =	sst s1  }
0xa: {  	[smem:$0x3FB0] =	sst s2  }
0xb: {  	[smem:$0x3FB1] =	sst s3  }
0xc: {  	[smem:$0x3FB2] =	sst s4  }
0xd: {  	[smem:$0x3FB3] =	sst s5  }
0xe: {  	[smem:$0x3FB4] =	sst s6  }
0xf: {  	[smem:$0x3FB5] =	sst s7  }
0x10: {  	[smem:$0x3FB6] =	sst s8  }
0x11: {  	[smem:$0x3FB7] =	sst s9;
	s0 =	simm.s32 @!p0 $0x0  }
0x12: {  	s1 =	sld [smem:$0x3F9D];
	s0 =	simm.s32 @p0 $0x1  }
0x13: {  	[smem:$0x3FB8] =	sst s0;
	s0 =	simm.s32 @!p1 $0x0  }
0x14: {  	s2 =	sld [smem:$0x3F9C];
	s0 =	simm.s32 @p1 $0x1  }
0x15: {  	[smem:$0x3FB9] =	sst s0;
	s0 =	simm.s32 @!p2 $0x0  }
0x16: {  	s3 =	sld [smem:$0x3FDB];
	s0 =	simm.s32 @p2 $0x1  }
0x17: {  	s4 =	simm.s32 $0x1BF5;
	[smem:$0x3FBB] =	sst s0  }
0x18: {  	s0 =	sld [smem:$0x3F9E];
	_ =	swait.ge [sflag:s4], $0x0  }
0x19: {  	s7 =	sld [smem:$0x3F9F]  }
0x1a: {  	s8 =	sadd.s32 $0xFFFFE003, lr  }
0x1b: {  	s9 =	sadd.s32 $0xFFFFFEF7, lr;
	s5 =	simm.s32 $0xFFFFFFFF;
	p2 =	slt.u32 s8, $0xFFFFF086  }
0x1c: {  	p1 =	slt.u32 s9, $0xF7A;
	s5 =	simm.s32 @!p2 $0x0  }
0x1d: {  	s5 =	simm.s32 @p1 $0x1;
	p0 =	seq.s32 s7, s2  }
0x1e: {  	s7 =	smul.u32 @!p0 $0xF7A, s2;
	p2 =	seq.s32 @!p0 s5, $0x0  }
0x1f: {  	s9 =	smul.u32 $0xF7A, s1;
	s8 =	simm.s32 @!p0 $0x1BF5;
	p2 =	por !p2, p0  }
0x20: {  	[sflag:s8] =	ssyncset.s32 @!p0 $0xFFFFF086;
	s6 =	sadd.s32 @!p0 s3, s7;
	s7 =	simm.s32 @!p0 $0x108  }
0x21: {  	s3 =	sadd.s32 s3, s9;
	s6 =	sadd.s32 @!p0 $0x88, s6;
	s7 =	simm.s32 @p2 $0x1082  }
0x22: {  	[simem:s7], [sflag:s8] =	dma.local @!p0 [hbm:s6], $0xF7A  }
0x23: {  	s9 =	sor.u32 $0xD0000000, s2;
	s6 =	simm.s32 $0x108;
	_ =	swait.ge @!p0 [sflag:s8], $0x0  }
0x24: {  	s3 =	sadd.s32 $0x88, s3;
	s6 =	simm.s32 @!p1 $0x1082;
	[sflag:s4] =	ssyncset.s32 $0xFFFFF086  }
0x25: {  	[simem:s6], [sflag:s4] =	dma.local [hbm:s3], $0xF7A  }
0x26: {  	[smem:$0x3F9F] =	sst s1;
	(tag) =	ssettag s2;
	_ =	strace s9  }
0x27: {  	s1 =	sld [smem:$0x3FAF]  }
0x28: {  	s2 =	sld [smem:$0x3FB0]  }
0x29: {  	s4 =	sld [smem:$0x3FB2]  }
0x2a: {  	p0 =	seq.s32 s5, $0x0;
	s5 =	sld [smem:$0x3FB3]  }
0x2b: {  	s6 =	sld [smem:$0x3FB4]  }
0x2c: {  	s7 =	sld [smem:$0x3FB5]  }
0x2d: {  	s3 =	simm.s32 $0x108;
	s8 =	sld [smem:$0x3FB6]  }
0x2e: {  	s3 =	simm.s32 @!p0 $0x1082;
	s9 =	sld [smem:$0x3FB7]  }
0x2f: {  	lr =	sadd.s32 s0, s3;
	s0 =	sld [smem:$0x3FAE]  }
0x30: {  	s3 =	sld [smem:$0x3FB1]  }
0x31: {  	[smem:$0x3FBA] =	sst s10  }
0x32: {  	s10 =	sld [smem:$0x3FB8];
	_ =	sdelay $0x3  }
0x33: {  	p0 =	seq.s32 s10, $0x1;
	s10 =	sld [smem:$0x3FBA];
	_ =	sdelay $0x3  }
0x34: {  	[smem:$0x3FBA] =	sst s10  }
0x35: {  	s10 =	sld [smem:$0x3FB9];
	_ =	sdelay $0x3  }
0x36: {  	p1 =	seq.s32 s10, $0x1;
	s10 =	sld [smem:$0x3FBA];
	_ =	sdelay $0x3  }
0x37: {  	[smem:$0x3FBA] =	sst s10  }
0x38: {  	s10 =	sld [smem:$0x3FBB]  }
0x39: {  	_ = 	snop;
	(pc) =	sbr.ind lr, $3  }
0x3a: {  	_ = 	snop  }
0x3b: {  	_ = 	snop  }
0x3c: {  	p2 =	seq.s32 s10, $0x1;
	s10 =	sld [smem:$0x3FBA]  }
0x3d: {  	_ =	shalt  }
0x3e: {  	_ =	shalt  }
0x3f: {  	_ =	shalt  }
0x40: {  	_ =	shalt  }
0x41: {  	_ =	shalt  }
0x42: {  	_ =	shalt  }
0x43: {  	_ =	shalt  }
0x44: {  	_ =	shalt  }
0x45: {  	_ =	shalt  }
0x46: {  	_ =	shalt  }
0x47: {  	_ =	shalt  }
0x48: {  	_ =	shalt  }
0x49: {  	_ =	shalt  }
0x4a: {  	_ =	shalt  }
0x4b: {  	_ =	shalt  }
0x4c: {  	_ =	shalt  }
0x4d: {  	_ =	shalt  }
0x4e: {  	_ =	shalt  }
0x4f: {  	_ =	shalt  }
0x50: {  	_ =	shalt  }
0x51: {  	_ =	shalt  }
0x52: {  	_ =	shalt  }
0x53: {  	_ =	shalt  }
0x54: {  	_ =	shalt  }
0x55: {  	_ =	shalt  }
0x56: {  	_ =	shalt  }
0x57: {  	_ =	shalt  }
0x58: {  	_ =	shalt  }
0x59: {  	_ =	shalt  }
0x5a: {  	_ =	shalt  }
0x5b: {  	_ =	shalt  }
0x5c: {  	_ =	shalt  }
0x5d: {  	_ =	shalt  }
0x5e: {  	_ =	shalt  }
0x5f: {  	_ =	shalt  }
0x60: {  	_ =	shalt  }
0x61: {  	_ =	shalt  }
0x62: {  	_ =	shalt  }
0x63: {  	_ =	shalt  }
0x64: {  	_ =	shalt  }
0x65: {  	_ =	shalt  }
0x66: {  	_ =	shalt  }
0x67: {  	_ =	shalt  }
0x68: {  	_ =	shalt  }
0x69: {  	_ =	shalt  }
0x6a: {  	_ =	shalt  }
0x6b: {  	_ =	shalt  }
0x6c: {  	_ =	shalt  }
0x6d: {  	_ =	shalt  }
0x6e: {  	_ =	shalt  }
0x6f: {  	_ =	shalt  }
0x70: {  	_ =	shalt  }
0x71: {  	_ =	shalt  }
0x72: {  	_ =	shalt  }
0x73: {  	_ =	shalt  }
0x74: {  	_ =	shalt  }
0x75: {  	_ =	shalt  }
0x76: {  	_ =	shalt  }
0x77: {  	_ =	shalt  }
0x78: {  	_ =	shalt  }
0x79: {  	_ =	shalt  }
0x7a: {  	_ =	shalt  }
0x7b: {  	_ =	shalt  }
0x7c: {  	_ =	shalt  }
0x7d: {  	_ =	shalt  }
0x7e: {  	_ =	shalt  }
0x7f: {  	_ =	shalt  }
0x80: {  	_ =	shalt  }
0x81: {  	_ =	shalt  }
0x82: {  	_ =	shalt  }
0x83: {  	_ =	shalt  }
0x84: {  	_ =	shalt  }
0x85: {  	_ =	shalt  }
0x86: {  	_ =	shalt  }
0x87: {  	_ =	shalt  }
.Lfunc_end0:
.L_simem_size_0:
called_computation_lowered:
.L_overlay_start_0:
0x88: {  	s2 =	sld [smem:$0x3FD9]  }
0x89: {  	s3 =	sld [smem:$0x3FFE];
	_ =	sdelay $0x1  }
0x8a: {  	s1 =	srdreg.scid  }
0x8b: {  	s0 =	sand.u32 $0x1, s1  }
0x8c: {  	s16 =	sshll.u32 s0, $0xA;
	s2 =	sadd.s32 s3, s2  }
0x8d: {  	s2 =	sadd.s32 s2, s16  }
0x8e: {  	[smem:$0x3FC6] =	sst s2  }
0x8f: {  	_ = 	snop  }
0x90: {  	(tm) =	ssettm $0x1  }
0x91: {  	s17 =	sld [smem:$0x3FFB];
	_ =	sdelay $0x3  }
0x92: {  	_ =	strace s17  }
0x93: {  	s2 =	sld [smem:$0x3FFC];
	_ =	sdelay $0x3  }
0x94: {  	_ =	strace s2  }
0x95: {  	s2 =	sld [smem:$0x3FFD];
	_ =	sdelay $0x3  }
0x96: {  	_ =	strace s2  }
0x97: {  	_ =	strace $0x8FFFFFFF  }
0x98: {  	s18 =	sld [smem:$0x3FDB];
	_ =	sdelay $0x1  }
0x99: {  	s19 =	simm.s32 $_scs_section_size  }
0x9a: {  	s4 =	simm.s32 $_size__tile_overlayer_lowered;
	s5 =	simm.s32 $_tile_overlayer_lowered  }
0x9b: {  	s22 =	simm.s32 $0x1BFF;
	s21 =	sshll.u32 s5, $0x1;
	s2 =	sadd.s32 s19, s18  }
0x9c: {  	s6 =	simm.s32 $0x0;
	s20 =	sshll.u32 s4, $0x1;
	s4 =	sadd.s32 s21, s2  }
0x9d: {  	[timem:s6], [sflag:s22] =	dma.local [hbm:s4], s20  }
0x9e: {  	_ =	swait.ge [sflag:s22], s20  }
0x9f: {  	s3 =	ssub.s32 $0x0, s20;
	[sflag:s22] =	ssyncset.done $0x0  }
0xa0: {  	[sflag:s22] =	ssyncadd.s32 s3;
	_ =	sdelay $0x1  }
0xa1: {  	s23 =	simm.s32 $0x1B8B  }
0xa2: {  	_ =	swait.ge [sflag:s23], $0x1  }
0xa3: {  	[sflag:s23] =	ssyncset.done $0x0  }
0xa4: {  	s25 =	simm.s32 $0x1B8E;
	s24 =	sld [smem:$0x3FFE];
	[sflag:s23] =	ssyncadd.s32 $0xFFFFFFFF  }
0xa5: {  	s26 =	simm.s32 $execute0_lowered;
	[smem:$0x3FD2] =	sst s25  }
0xa6: {  	s4 =	sshll.u32 s26, $0x1;
	_ =	strace $0x80000046;
	[dreg:$0x1] =	wrdreg $0xFFFFFFFF  }
0xa7: {  	s28 =	simm.s32 $_size_execute0_lowered;
	s2 =	sadd.s32 s2, s4;
	[dreg:$0x0] =	wrdreg $0x0  }
0xa8: {  	s4 =	sshll.u32 s28, $0x1;
	[dreg:$0x2] =	wrdreg s2  }
0xa9: {  	[dreg:$0x3] =	wrdreg s4  }
0xaa: {  	[dreg:$0x4] =	wrdreg $0xC0  }
0xab: {  	_ =	task [dreg:s6], $0x5FFFF  }
0xac: {  	[dreg:$0x1] =	wrdreg $0xFFFFFFFF  }
0xad: {  	[dreg:$0x0] =	wrdreg $0x60  }
0xae: {  	[dreg:$0x2] =	wrdreg s24  }
0xaf: {  	[dreg:$0x3] =	wrdreg $0x7F000  }
0xb0: {  	[dreg:$0x4] =	wrdreg $0x7E800  }
0xb1: {  	[dreg:$0x5] =	wrdreg $0x9  }
0xb2: {  	_ =	task.clear_ibuf [dreg:s6], $0x6FFFF;
	_ =	strace $0x90000046  }
0xb3: {  	s29 =	simm.s32 $0x9;
	_ =	strace $0x80000048  }
0xb4: {  	_ =	swait.ge [sflag:s29], $0x1  }
0xb5: {  	[sflag:s29] =	ssyncadd.s32 $0xFFFFFFFF  }
0xb6: {  	_ =	strace $0x90000048  }
0xb7: {  	_ =	sfence  }
0xb8: {  	s30 =	sld [smem:$0x0];
	_ =	sdelay $0x2  }
0xb9: {  	s31 =	sshll.u32 s1, $0xD;
	s1 =	sshrl.u32 s1, $0x2  }
0xba: {  	s3 =	sand.u32 $0x4000, s31;
	s1 =	sadd.s32 s1, s30  }
0xbb: {  	s0 =	sor.u32 s3, s0;
	s1 =	sshll.u32 s1, $0x11  }
0xbc: {  	s0 =	sor.u32 s1, s0  }
0xbd: {  	s0 =	sadd.s32 $0x8F2B, s0  }
0xbe: {  	[sflag:s0] =	ssyncadd.remote.s32 $0x1  }
0xbf: {  	_ =	sfence.sel $0xFFFF  }
0xc0: {  	[dreg:$0x0] =	wrdreg $0xFFFFFFFF;
	(pc) =	sbr.abs _section_cstart, $3  }
0xc1: {  	[dreg:$0x1] =	wrdreg $0xFFFFFFFF  }
0xc2: {  	_ =	task.clear_ibuf [dreg:s6], $0x2FFFF;
	_ =	strace $0x9FFFFFFF  }
0xc3: {  	(tm) =	ssettm $0x7FFFFFFF  }
tec
execute0_lowered:
.L_overlay_start_1:
0x0: {  	(tag) =	ssettag $0x1  }
0x1: {  	s2 =	rddreg [dreg:$0x0]  }
0x2: {  	s0 =	srdreg.scid;
	s28 =	rddreg [dreg:$0x1]  }
0x3: {  	s1 =	stileid.u32;
	s25 =	rddreg [dreg:$0x2];
	s31 =	simm.s32 $0x4  }
0x4: {  	s30 =	simm.s32 $0x1;
	s0 =	sand.u32 $0x1, s0;
	s3 =	sshll.u32 s1, $0x1  }
0x5: {  	s5 =	sadd.s32 $0x600, s2;
	s26 =	sshll.u32 s1, $0x7;
	s20 =	sshll.u32 s1, $0x4  }
0x6: {  	p0 =	sne.s32 s1, $0x0;
	s1 =	simm.s32 $0x2;
	s3 =	sor.u32 s0, s3  }
0x7: {  	s6 =	sshll.u32 s0, $0x4;
	s0 =	ssub.s32 $0x2, s0;
	s7 =	sshrl.u32 s26, $0x3  }
0x8: {  	s25 =	sadd.s32 s26, s25;
	s26 =	sadd.s32 s26, s28;
	s4 =	smul.u32 $0x6400, s3  }
0x9: {  	s3 =	simm.s32 $0x0;
	s19 =	sshrl.u32 s0, $0x1;
	s22 =	sadd.s32 s5, s7  }
0xa: {  	s5 =	sadd.s32 s5, s20;
	[smem:$0x7FF] =	sst s3;
	s0 =	ssub.s32 s0, s19  }
0xb: {  	s21 =	sadd.s32 $0xFA, s22;
	s23 =	sadd.s32 $0x1F4, s22;
	s24 =	sadd.s32 $0x2EE, s22  }
0xc: {  	s8 =	sadd.s32 $0x3E8, s22;
	s9 =	sadd.s32 $0x4E2, s22;
	s10 =	sadd.s32 $0x5DC, s22  }
0xd: {  	s11 =	sadd.s32 $0x6D6, s22;
	s12 =	sadd.s32 $0x7D0, s22;
	s13 =	sadd.s32 $0x8CA, s22  }
0xe: {  	s14 =	sadd.s32 $0x9C4, s22;
	s15 =	sadd.s32 $0xABE, s22;
	s16 =	sadd.s32 $0xBB8, s22  }
0xf: {  	s17 =	sadd.s32 $0xCB2, s22;
	_ =	strace $0x80000047;
	[dreg:$0x4] =	wrdreg s5  }
0x10: {  	s18 =	sadd.s32 $0xDAC, s22;
	s19 =	sadd.s32 $0xEA6, s22;
	[dreg:$0x5] =	wrdreg s21  }
0x11: {  	s20 =	sadd.s32 $0xFA0, s22;
	s4 =	sshrl.u32 s4, $0x3;
	[dreg:$0x6] =	wrdreg s23  }
0x12: {  	[dreg:$0x7] =	wrdreg s24;
	s21 =	sadd.s32 $0x109A, s22;
	s22 =	sadd.s32 $0x1194, s22  }
0x13: {  	s29 =	smax.u32 s0, $0x1;
	s0 =	simm.s32 $0x6E00;
	s4 =	sadd.s32 s4, s2  }
0x14: {  	s2 =	sadd.s32 s6, s2;
	s23 =	sadd.s32 $0x1A00, s4;
	s24 =	sadd.s32 $0x2040, s4  }
0x15: {  	s28 =	sadd.s32 $0x1AA00, s2;
	s2 =	simm.s32 $0x3;
	s4 =	simm.s32 $0x0  }
.LBB2_1:
0x16: {  	[tilespmem:s3], [sflag:$0x1] =	stream.linear.gather [hbm4b:s23+s3], $0x3200, $0x38;
	[tilespmem:$0x7F10] =	vst v63  }
0x17: {  	s5 =	rddreg [dreg:$0x4];
	s6 =	simm.s32 $0x6400  }
0x18: {  	[tilespmem:s6], [sflag:$0x3] =	stream.linear.gather [hbm4b:s5+s3], $0x80, $0x38;
	[tilespmem:$0x7F10] =	vst v63  }
0x19: {  	s7 =	simm.s32 $0x6480;
	s6 =	rddreg [dreg:$0x5]  }
0x1a: {  	[tilespmem:s7], [sflag:$0x3] =	stream.linear.gather [hbm4b:s6+s3], $0x80, $0x38;
	[tilespmem:$0x7F10] =	vst v63  }
0x1b: {  	s6 =	rddreg [dreg:$0x6];
	s7 =	simm.s32 $0x6500  }
0x1c: {  	[tilespmem:s7], [sflag:$0x3] =	stream.linear.gather [hbm4b:s6+s3], $0x80, $0x38;
	[tilespmem:$0x7F10] =	vst v63  }
0x1d: {  	s6 =	rddreg [dreg:$0x7];
	s7 =	simm.s32 $0x6580  }
0x1e: {  	[tilespmem:s7], [sflag:$0x3] =	stream.linear.gather [hbm4b:s6+s3], $0x80, $0x38;
	[tilespmem:$0x7F10] =	vst v63  }
0x1f: {  	s7 =	simm.s32 $0x6600  }
0x20: {  	[tilespmem:s7], [sflag:$0x3] =	stream.linear.gather [hbm4b:s8+s3], $0x80, $0x38;
	[tilespmem:$0x7F10] =	vst v63  }
0x21: {  	s6 =	simm.s32 $0x6680  }
0x22: {  	[tilespmem:s6], [sflag:$0x3] =	stream.linear.gather [hbm4b:s9+s3], $0x80, $0x38;
	[tilespmem:$0x7F10] =	vst v63  }
0x23: {  	s7 =	simm.s32 $0x6700  }
0x24: {  	[tilespmem:s7], [sflag:$0x3] =	stream.linear.gather [hbm4b:s10+s3], $0x80, $0x38;
	[tilespmem:$0x7F10] =	vst v63  }
0x25: {  	s6 =	simm.s32 $0x6780  }
0x26: {  	[tilespmem:s6], [sflag:$0x3] =	stream.linear.gather [hbm4b:s11+s3], $0x80, $0x38;
	[tilespmem:$0x7F10] =	vst v63  }
0x27: {  	s7 =	simm.s32 $0x6800  }
0x28: {  	[tilespmem:s7], [sflag:$0x3] =	stream.linear.gather [hbm4b:s12+s3], $0x80, $0x38;
	[tilespmem:$0x7F10] =	vst v63  }
0x29: {  	s6 =	simm.s32 $0x6880  }
0x2a: {  	[tilespmem:s6], [sflag:$0x3] =	stream.linear.gather [hbm4b:s13+s3], $0x80, $0x38;
	[tilespmem:$0x7F10] =	vst v63  }
0x2b: {  	s7 =	simm.s32 $0x6900  }
0x2c: {  	[tilespmem:s7], [sflag:$0x3] =	stream.linear.gather [hbm4b:s14+s3], $0x80, $0x38;
	[tilespmem:$0x7F10] =	vst v63  }
0x2d: {  	s6 =	simm.s32 $0x6980  }
0x2e: {  	[tilespmem:s6], [sflag:$0x3] =	stream.linear.gather [hbm4b:s15+s3], $0x80, $0x38;
	[tilespmem:$0x7F10] =	vst v63  }
0x2f: {  	s7 =	simm.s32 $0x6A00  }
0x30: {  	[tilespmem:s7], [sflag:$0x3] =	stream.linear.gather [hbm4b:s16+s3], $0x80, $0x38;
	[tilespmem:$0x7F10] =	vst v63  }
0x31: {  	s6 =	simm.s32 $0x6A80  }
0x32: {  	[tilespmem:s6], [sflag:$0x3] =	stream.linear.gather [hbm4b:s17+s3], $0x80, $0x38;
	[tilespmem:$0x7F10] =	vst v63  }
0x33: {  	s7 =	simm.s32 $0x6B00  }
0x34: {  	[tilespmem:s7], [sflag:$0x3] =	stream.linear.gather [hbm4b:s18+s3], $0x80, $0x38;
	[tilespmem:$0x7F10] =	vst v63  }
0x35: {  	s6 =	simm.s32 $0x6B80  }
0x36: {  	[tilespmem:s6], [sflag:$0x3] =	stream.linear.gather [hbm4b:s19+s3], $0x80, $0x38;
	[tilespmem:$0x7F10] =	vst v63  }
0x37: {  	s7 =	simm.s32 $0x6C00  }
0x38: {  	[tilespmem:s7], [sflag:$0x3] =	stream.linear.gather [hbm4b:s20+s3], $0x80, $0x38;
	[tilespmem:$0x7F10] =	vst v63  }
0x39: {  	s6 =	simm.s32 $0x6C80  }
0x3a: {  	[tilespmem:s6], [sflag:$0x3] =	stream.linear.gather [hbm4b:s21+s3], $0x80, $0x38;
	[tilespmem:$0x7F10] =	vst v63  }
0x3b: {  	s7 =	simm.s32 $0x6D00  }
0x3c: {  	[tilespmem:s7], [sflag:$0x3] =	stream.linear.gather [hbm4b:s22+s3], $0x80, $0x38;
	[tilespmem:$0x7F10] =	vst v63  }
0x3d: {  	_ =	swait.ge [sflag:s2], $0x80  }
0x3e: {  	[sflag:s2] =	ssyncset.done $0x0  }
0x3f: {  	[sflag:s2] =	ssyncadd.s32 $0xFFFFFF80  }
0x40: {  	_ =	swait.ge [sflag:s2], $0x80  }
0x41: {  	[sflag:s2] =	ssyncset.done $0x0  }
0x42: {  	[sflag:s2] =	ssyncadd.s32 $0xFFFFFF80  }
0x43: {  	_ =	swait.ge [sflag:s2], $0x80  }
0x44: {  	[sflag:s2] =	ssyncset.done $0x0  }
0x45: {  	[sflag:s2] =	ssyncadd.s32 $0xFFFFFF80  }
0x46: {  	_ =	swait.ge [sflag:s2], $0x80  }
0x47: {  	[sflag:s2] =	ssyncset.done $0x0  }
0x48: {  	[sflag:s2] =	ssyncadd.s32 $0xFFFFFF80  }
0x49: {  	_ =	swait.ge [sflag:s2], $0x80  }
0x4a: {  	[sflag:s2] =	ssyncset.done $0x0  }
0x4b: {  	[sflag:s2] =	ssyncadd.s32 $0xFFFFFF80  }
0x4c: {  	_ =	swait.ge [sflag:s2], $0x80  }
0x4d: {  	[sflag:s2] =	ssyncset.done $0x0  }
0x4e: {  	[sflag:s2] =	ssyncadd.s32 $0xFFFFFF80  }
0x4f: {  	_ =	swait.ge [sflag:s2], $0x80  }
0x50: {  	[sflag:s2] =	ssyncset.done $0x0  }
0x51: {  	[sflag:s2] =	ssyncadd.s32 $0xFFFFFF80  }
0x52: {  	_ =	swait.ge [sflag:s2], $0x80  }
0x53: {  	[sflag:s2] =	ssyncset.done $0x0  }
0x54: {  	[sflag:s2] =	ssyncadd.s32 $0xFFFFFF80  }
0x55: {  	_ =	swait.ge [sflag:s2], $0x80  }
0x56: {  	[sflag:s2] =	ssyncset.done $0x0  }
0x57: {  	[sflag:s2] =	ssyncadd.s32 $0xFFFFFF80  }
0x58: {  	_ =	swait.ge [sflag:s2], $0x80  }
0x59: {  	[sflag:s2] =	ssyncset.done $0x0  }
0x5a: {  	[sflag:s2] =	ssyncadd.s32 $0xFFFFFF80  }
0x5b: {  	_ =	swait.ge [sflag:s2], $0x80  }
0x5c: {  	[sflag:s2] =	ssyncset.done $0x0  }
0x5d: {  	[sflag:s2] =	ssyncadd.s32 $0xFFFFFF80  }
0x5e: {  	_ =	swait.ge [sflag:s2], $0x80  }
0x5f: {  	[sflag:s2] =	ssyncset.done $0x0  }
0x60: {  	[sflag:s2] =	ssyncadd.s32 $0xFFFFFF80  }
0x61: {  	_ =	swait.ge [sflag:s2], $0x80  }
0x62: {  	[sflag:s2] =	ssyncset.done $0x0  }
0x63: {  	[sflag:s2] =	ssyncadd.s32 $0xFFFFFF80  }
0x64: {  	_ =	swait.ge [sflag:s2], $0x80  }
0x65: {  	[sflag:s2] =	ssyncset.done $0x0  }
0x66: {  	[sflag:s2] =	ssyncadd.s32 $0xFFFFFF80  }
0x67: {  	_ =	swait.ge [sflag:s2], $0x80  }
0x68: {  	[sflag:s2] =	ssyncset.done $0x0  }
0x69: {  	[sflag:s2] =	ssyncadd.s32 $0xFFFFFF80  }
0x6a: {  	_ =	swait.ge [sflag:s2], $0x80  }
0x6b: {  	[sflag:s2] =	ssyncset.done $0x0  }
0x6c: {  	[sflag:s2] =	ssyncadd.s32 $0xFFFFFF80  }
0x6d: {  	_ =	swait.ge [sflag:s2], $0x80  }
0x6e: {  	[sflag:s2] =	ssyncset.done $0x0  }
0x6f: {  	[sflag:s2] =	ssyncadd.s32 $0xFFFFFF80  }
0x70: {  	_ =	swait.ge [sflag:s2], $0x80  }
0x71: {  	[sflag:s2] =	ssyncset.done $0x0  }
0x72: {  	[sflag:s2] =	ssyncadd.s32 $0xFFFFFF80  }
0x73: {  	_ =	swait.ge [sflag:s2], $0x80  }
0x74: {  	[sflag:s2] =	ssyncset.done $0x0  }
0x75: {  	[sflag:s2] =	ssyncadd.s32 $0xFFFFFF80  }
0x76: {  	v0 =	vld [tilespmem:$0x6900];
	_ =	sdelay $0x4  }
0x77: {  	[tilespmem:$0x1FEC0] =	vst v0;
	v0 =	vld [tilespmem:$0x6980];
	_ =	sdelay $0x4  }
0x78: {  	[tilespmem:$0x1FED0] =	vst v0;
	v0 =	vld [tilespmem:$0x6A00];
	_ =	sdelay $0x2  }
0x79: {  	v16 =	vld [tilespmem:$0x6400]  }
0x7a: {  	v18 =	vld [tilespmem:$0x6480]  }
0x7b: {  	[tilespmem:$0x1FEE0] =	vst v0;
	v0 =	vld [tilespmem:$0x6A80]  }
0x7c: {  	v15 =	vld [tilespmem:$0x6500]  }
0x7d: {  	v19 =	vld [tilespmem:$0x6580]  }
0x7e: {  	v20 =	vld [tilespmem:$0x6600]  }
0x7f: {  	v29 =	vld [tilespmem:$0x6680]  }
0x80: {  	[tilespmem:$0x1FEF0] =	vst v0;
	v0 =	vld [tilespmem:$0x6B00]  }
0x81: {  	v30 =	vld [tilespmem:$0x6700]  }
0x82: {  	v31 =	vld [tilespmem:$0x6780]  }
0x83: {  	v32 =	vld [tilespmem:$0x6800]  }
0x84: {  	v34 =	vld [tilespmem:$0x6880]  }
0x85: {  	[tilespmem:$0x1FF10] =	vst v0;
	v0 =	vld [tilespmem:$0x6B80]  }
0x86: {  	v7 =	vld [tilespmem:$0x6410]  }
0x87: {  	v8 =	vld [tilespmem:$0x6490]  }
0x88: {  	v10 =	vld [tilespmem:$0x6510]  }
0x89: {  	v35 =	vld [tilespmem:$0x6590]  }
0x8a: {  	[tilespmem:$0x1FF30] =	vst v0;
	v0 =	vld [tilespmem:$0x6C00]  }
0x8b: {  	v36 =	vld [tilespmem:$0x6610]  }
0x8c: {  	v37 =	vld [tilespmem:$0x6690]  }
0x8d: {  	v38 =	vld [tilespmem:$0x6710]  }
0x8e: {  	v39 =	vld [tilespmem:$0x6790]  }
0x8f: {  	[tilespmem:$0x1FF50] =	vst v0;
	v0 =	vld [tilespmem:$0x6C80]  }
0x90: {  	v40 =	vld [tilespmem:$0x6810]  }
0x91: {  	v41 =	vld [tilespmem:$0x6890]  }
0x92: {  	v42 =	vld [tilespmem:$0x6910]  }
0x93: {  	v43 =	vld [tilespmem:$0x6990]  }
0x94: {  	[tilespmem:$0x1FF70] =	vst v0;
	v0 =	vld [tilespmem:$0x6D00]  }
0x95: {  	v44 =	vld [tilespmem:$0x6A10]  }
0x96: {  	v11 =	vld [tilespmem:$0x6420]  }
0x97: {  	v14 =	vld [tilespmem:$0x64A0]  }
0x98: {  	v46 =	vld [tilespmem:$0x6520]  }
0x99: {  	[tilespmem:$0x1FF90] =	vst v0;
	v0 =	vld [tilespmem:$0x6A90]  }
0x9a: {  	v47 =	vld [tilespmem:$0x65A0]  }
0x9b: {  	v48 =	vld [tilespmem:$0x6620]  }
0x9c: {  	v49 =	vld [tilespmem:$0x66A0]  }
0x9d: {  	v50 =	vld [tilespmem:$0x6720]  }
0x9e: {  	[tilespmem:$0x1FF00] =	vst v0;
	v0 =	vld [tilespmem:$0x6B10]  }
0x9f: {  	v51 =	vld [tilespmem:$0x67A0]  }
0xa0: {  	v52 =	vld [tilespmem:$0x6820]  }
0xa1: {  	v53 =	vld [tilespmem:$0x68A0]  }
0xa2: {  	v54 =	vld [tilespmem:$0x6920]  }
0xa3: {  	[tilespmem:$0x1FF20] =	vst v0;
	v0 =	vld [tilespmem:$0x6B90]  }
0xa4: {  	v55 =	vld [tilespmem:$0x69A0]  }
0xa5: {  	v56 =	vld [tilespmem:$0x6A20]  }
0xa6: {  	v57 =	vld [tilespmem:$0x6AA0]  }
0xa7: {  	v58 =	vld [tilespmem:$0x6B20]  }
0xa8: {  	[tilespmem:$0x1FF40] =	vst v0;
	v0 =	vld [tilespmem:$0x6C10]  }
0xa9: {  	v59 =	vld [tilespmem:$0x6BA0]  }
0xaa: {  	v60 =	vld [tilespmem:$0x6C20]  }
0xab: {  	v61 =	vld [tilespmem:$0x6430]  }
0xac: {  	v62 =	vld [tilespmem:$0x64B0]  }
0xad: {  	[tilespmem:$0x1FF60] =	vst v0;
	v0 =	vld [tilespmem:$0x6C90]  }
0xae: {  	v63 =	vld [tilespmem:$0x6530]  }
0xaf: {  	v1 =	vld [tilespmem:$0x65B0]  }
0xb0: {  	v2 =	vld [tilespmem:$0x6630]  }
0xb1: {  	v3 =	vld [tilespmem:$0x66B0]  }
0xb2: {  	[tilespmem:$0x1FF80] =	vst v0;
	v0 =	vld [tilespmem:$0x6D10]  }
0xb3: {  	v4 =	vld [tilespmem:$0x6730]  }
0xb4: {  	v5 =	vld [tilespmem:$0x67B0]  }
0xb5: {  	v6 =	vld [tilespmem:$0x6830]  }
0xb6: {  	v9 =	vld [tilespmem:$0x68B0]  }
0xb7: {  	[tilespmem:$0x1FFB0] =	vst v0;
	v0 =	vld [tilespmem:$0x6CA0]  }
0xb8: {  	v12 =	vld [tilespmem:$0x6930]  }
0xb9: {  	v13 =	vld [tilespmem:$0x69B0]  }
0xba: {  	v17 =	vld [tilespmem:$0x6A30]  }
0xbb: {  	v21 =	vld [tilespmem:$0x6AB0]  }
0xbc: {  	[tilespmem:$0x1FFA0] =	vst v0;
	v0 =	vld [tilespmem:$0x6D20]  }
0xbd: {  	v22 =	vld [tilespmem:$0x6B30]  }
0xbe: {  	v23 =	vld [tilespmem:$0x6BB0]  }
0xbf: {  	v24 =	vld [tilespmem:$0x6C30]  }
0xc0: {  	v26 =	vld [tilespmem:$0x6CB0]  }
0xc1: {  	[tilespmem:$0x1FFC0] =	vst v0;
	v0 =	vld [tilespmem:$0x6640]  }
0xc2: {  	v33 =	vld [tilespmem:$0x6D30]  }
0xc3: {  	v27 =	vld [tilespmem:$0x6440]  }
0xc4: {  	v25 =	vld [tilespmem:$0x64C0];
	v7 =	vadd.f32 v8, v7  }
0xc5: {  	v28 =	vld [tilespmem:$0x6540]  }
0xc6: {  	v7 =	vadd.f32 v10, v7;
	[tilespmem:$0x1FFD0] =	vst v0;
	v0 =	vld [tilespmem:$0x66C0]  }
0xc7: {  	v45 =	vld [tilespmem:$0x65C0]  }
0xc8: {  	v8 =	vadd.f32 v14, v11;
	v14 =	vld [tilespmem:$0x68C0];
	v35 =	vadd.f32 v35, v7  }
0xc9: {  	v11 =	vld [tilespmem:$0x6940]  }
0xca: {  	v10 =	vld [tilespmem:$0x69C0];
	v35 =	vadd.f32 v36, v35  }
0xcb: {  	[tilespmem:$0x1FFE0] =	vst v0;
	v0 =	vld [tilespmem:$0x6740]  }
0xcc: {  	v7 =	vld [tilespmem:$0x6AC0];
	v35 =	vadd.f32 v37, v35  }
0xcd: {  	v36 =	vld [tilespmem:$0x6850]  }
0xce: {  	v37 =	vld [tilespmem:$0x6950];
	v35 =	vadd.f32 v38, v35  }
0xcf: {  	v38 =	vld [tilespmem:$0x6A50]  }
0xd0: {  	v39 =	vadd.f32 v39, v35;
	v35 =	vld [tilespmem:$0x6750];
	[tilespmem:$0x1FFF0] =	vst v0;
	v0 =	vadd.f32 v18, v16  }
0xd1: {  	v18 =	vld [tilespmem:$0x67C0]  }
0xd2: {  	v16 =	vld [tilespmem:$0x6840];
	v0 =	vadd.f32 v15, v0  }
0xd3: {  	v15 =	vadd.f32 v62, v61;
	v62 =	vadd.f32 v46, v8;
	v8 =	vld [tilespmem:$0x6A40]  }
0xd4: {  	v46 =	vld [tilespmem:$0x1FF00]  }
0xd5: {  	v61 =	vld [tilespmem:$0x1FFB0]  }
0xd6: {  	v0 =	vadd.f32 v19, v0;
	v19 =	vadd.f32 v47, v62;
	v47 =	vld [tilespmem:$0x1FF10]  }
0xd7: {  	v62 =	vld [tilespmem:$0x6560]  }
0xd8: {  	v15 =	vadd.f32 v63, v15;
	v63 =	vld [tilespmem:$0x1FFC0]  }
0xd9: {  	v0 =	vadd.f32 v20, v0;
	v20 =	vld [tilespmem:$0x6B40]  }
0xda: {  	v1 =	vadd.f32 v1, v15;
	v15 =	vld [tilespmem:$0x6BC0]  }
0xdb: {  	v19 =	vadd.f32 v48, v19;
	v48 =	vld [tilespmem:$0x1FF20]  }
0xdc: {  	v0 =	vadd.f32 v29, v0;
	v29 =	vld [tilespmem:$0x6C40]  }
0xdd: {  	v2 =	vadd.f32 v2, v1;
	v1 =	vld [tilespmem:$0x6CC0]  }
0xde: {  	v19 =	vadd.f32 v49, v19;
	v49 =	vld [tilespmem:$0x1FF30]  }
0xdf: {  	v30 =	vadd.f32 v30, v0;
	v0 =	vld [tilespmem:$0x6D40]  }
0xe0: {  	v2 =	vadd.f32 v3, v2;
	v19 =	vadd.f32 v50, v19;
	v50 =	vld [tilespmem:$0x1FF40]  }
0xe1: {  	v3 =	vadd.f32 v31, v30;
	v30 =	vld [tilespmem:$0x6450]  }
0xe2: {  	v2 =	vadd.f32 v4, v2;
	v4 =	vld [tilespmem:$0x64D0]  }
0xe3: {  	v31 =	vadd.f32 v40, v39;
	v39 =	vld [tilespmem:$0x6B50]  }
0xe4: {  	v40 =	vld [tilespmem:$0x6C50]  }
0xe5: {  	v19 =	vadd.f32 v51, v19;
	v51 =	vld [tilespmem:$0x1FF50]  }
0xe6: {  	v3 =	vadd.f32 v32, v3;
	v32 =	vld [tilespmem:$0x6550]  }
0xe7: {  	v2 =	vadd.f32 v5, v2;
	v5 =	vld [tilespmem:$0x65D0]  }
0xe8: {  	v31 =	vadd.f32 v41, v31;
	v41 =	vld [tilespmem:$0x1FEC0]  }
0xe9: {  	v19 =	vadd.f32 v52, v19;
	v52 =	vld [tilespmem:$0x1FF60]  }
0xea: {  	v3 =	vadd.f32 v34, v3;
	v34 =	vld [tilespmem:$0x6650]  }
0xeb: {  	v2 =	vadd.f32 v6, v2;
	v6 =	vld [tilespmem:$0x66D0]  }
0xec: {  	v31 =	vadd.f32 v42, v31;
	v42 =	vld [tilespmem:$0x1FED0]  }
0xed: {  	v19 =	vadd.f32 v53, v19;
	v53 =	vld [tilespmem:$0x6460]  }
0xee: {  	v2 =	vadd.f32 v9, v2;
	v9 =	vld [tilespmem:$0x67D0]  }
0xef: {  	v31 =	vadd.f32 v43, v31;
	v43 =	vld [tilespmem:$0x1FEE0]  }
0xf0: {  	v19 =	vadd.f32 v54, v19;
	v54 =	vld [tilespmem:$0x1FF70]  }
0xf1: {  	v3 =	vadd.f32 v41, v3;
	v41 =	vld [tilespmem:$0x6D50]  }
0xf2: {  	v25 =	vadd.f32 v25, v27;
	v2 =	vadd.f32 v12, v2;
	v12 =	vld [tilespmem:$0x68D0]  }
0xf3: {  	v4 =	vadd.f32 v4, v30;
	v31 =	vadd.f32 v44, v31;
	v44 =	vld [tilespmem:$0x1FEF0]  }
0xf4: {  	v25 =	vadd.f32 v28, v25;
	v19 =	vadd.f32 v55, v19;
	v55 =	vld [tilespmem:$0x64E0]  }
0xf5: {  	v4 =	vadd.f32 v32, v4;
	v2 =	vadd.f32 v13, v2;
	v13 =	vld [tilespmem:$0x69D0]  }
0xf6: {  	v25 =	vadd.f32 v45, v25;
	v19 =	vadd.f32 v56, v19;
	v56 =	vld [tilespmem:$0x1FF80]  }
0xf7: {  	v4 =	vadd.f32 v5, v4;
	v31 =	vadd.f32 v46, v31;
	v46 =	vld [tilespmem:$0x6570]  }
0xf8: {  	v3 =	vadd.f32 v42, v3;
	v2 =	vadd.f32 v17, v2;
	v17 =	vld [tilespmem:$0x6AD0]  }
0xf9: {  	v4 =	vadd.f32 v34, v4;
	v19 =	vadd.f32 v57, v19;
	v57 =	vld [tilespmem:$0x6470]  }
0xfa: {  	v3 =	vadd.f32 v43, v3;
	v31 =	vadd.f32 v48, v31;
	v48 =	vld [tilespmem:$0x65F0]  }
0xfb: {  	v4 =	vadd.f32 v6, v4;
	v6 =	vld [tilespmem:$0x67E0];
	v19 =	vadd.f32 v58, v19  }
0xfc: {  	v3 =	vadd.f32 v44, v3;
	v2 =	vadd.f32 v21, v2;
	v21 =	vld [tilespmem:$0x6BD0]  }
0xfd: {  	v31 =	vadd.f32 v50, v31;
	v58 =	vld [tilespmem:$0x1FF90];
	v19 =	vadd.f32 v59, v19  }
0xfe: {  	v50 =	vld [tilespmem:$0x6670];
	v3 =	vadd.f32 v47, v3;
	v4 =	vadd.f32 v35, v4  }
0xff: {  	v2 =	vadd.f32 v22, v2;
	v19 =	vadd.f32 v60, v19;
	v60 =	vld [tilespmem:$0x64F0]  }
0x100: {  	v47 =	vld [tilespmem:$0x65E0];
	v31 =	vadd.f32 v52, v31;
	v3 =	vadd.f32 v49, v3  }
0x101: {  	v59 =	vld [tilespmem:$0x1FFA0];
	v4 =	vadd.f32 v9, v4;
	v2 =	vadd.f32 v23, v2  }
0x102: {  	v52 =	vld [tilespmem:$0x1FFD0];
	v31 =	vadd.f32 v56, v31;
	v23 =	vadd.f32 v55, v53  }
0x103: {  	v49 =	vld [tilespmem:$0x6660];
	v3 =	vadd.f32 v51, v3;
	v4 =	vadd.f32 v36, v4  }
0x104: {  	v55 =	vld [tilespmem:$0x1FFE0];
	v2 =	vadd.f32 v24, v2;
	v24 =	vadd.f32 v60, v57  }
0x105: {  	v51 =	vld [tilespmem:$0x66E0];
	v31 =	vadd.f32 v61, v31;
	v23 =	vadd.f32 v62, v23  }
0x106: {  	v3 =	vadd.f32 v54, v3;
	v57 =	vld [tilespmem:$0x1FFF0];
	v5 =	vadd.f32 v46, v24  }
0x107: {  	v53 =	vld [tilespmem:$0x66F0];
	v25 =	vadd.f32 v52, v25;
	v23 =	vadd.f32 v47, v23  }
0x108: {  	v19 =	vadd.f32 v59, v19;
	v54 =	vld [tilespmem:$0x6760];
	v5 =	vadd.f32 v48, v5  }
0x109: {  	v56 =	vld [tilespmem:$0x6770];
	v25 =	vadd.f32 v55, v25;
	v23 =	vadd.f32 v49, v23  }
0x10a: {  	v22 =	vld [tilespmem:$0x6CD0];
	v3 =	vadd.f32 v58, v3;
	v5 =	vadd.f32 v50, v5  }
0x10b: {  	v58 =	vld [tilespmem:$0x67F0];
	v23 =	vadd.f32 v51, v23;
	v25 =	vadd.f32 v57, v25  }
0x10c: {  	v59 =	vld [tilespmem:$0x6860];
	v4 =	vadd.f32 v12, v4;
	v5 =	vadd.f32 v53, v5  }
0x10d: {  	v60 =	vld [tilespmem:$0x6870];
	v23 =	vadd.f32 v54, v23;
	v18 =	vadd.f32 v18, v25  }
0x10e: {  	v9 =	vld [tilespmem:$0x68E0];
	v2 =	vadd.f32 v26, v2;
	v5 =	vadd.f32 v56, v5  }
0x10f: {  	v61 =	vld [tilespmem:$0x68F0];
	v6 =	vadd.f32 v6, v23;
	v16 =	vadd.f32 v16, v18  }
0x110: {  	v62 =	vld [tilespmem:$0x6960];
	v19 =	vadd.f32 v63, v19;
	v5 =	vadd.f32 v58, v5  }
0x111: {  	v63 =	vld [tilespmem:$0x6970];
	v6 =	vadd.f32 v59, v6;
	v14 =	vadd.f32 v14, v16  }
0x112: {  	v12 =	vld [tilespmem:$0x69E0];
	v4 =	vadd.f32 v37, v4;
	v5 =	vadd.f32 v60, v5  }
0x113: {  	v6 =	vadd.f32 v9, v6;
	v9 =	vld [tilespmem:$0x69F0];
	v11 =	vadd.f32 v11, v14  }
0x114: {  	v2 =	vadd.f32 v33, v2;
	v14 =	vld [tilespmem:$0x6A60];
	v5 =	vadd.f32 v61, v5  }
0x115: {  	v6 =	vadd.f32 v62, v6;
	v10 =	vadd.f32 v10, v11;
	v11 =	vld [tilespmem:$0x6A70]  }
0x116: {  	v4 =	vadd.f32 v13, v4;
	v13 =	vld [tilespmem:$0x6AE0];
	v5 =	vadd.f32 v63, v5  }
0x117: {  	v6 =	vadd.f32 v12, v6;
	v8 =	vadd.f32 v8, v10;
	v10 =	vld [tilespmem:$0x6AF0]  }
0x118: {  	v4 =	vadd.f32 v38, v4;
	v5 =	vadd.f32 v9, v5;
	v9 =	vld [tilespmem:$0x6B60]  }
0x119: {  	v6 =	vadd.f32 v14, v6;
	v7 =	vadd.f32 v7, v8;
	v8 =	vld [tilespmem:$0x6B70]  }
0x11a: {  	v4 =	vadd.f32 v17, v4;
	v5 =	vadd.f32 v11, v5;
	v11 =	vld [tilespmem:$0x6BE0]  }
0x11b: {  	v12 =	vld [tilespmem:$0x6BF0];
	v6 =	vadd.f32 v13, v6;
	v7 =	vadd.f32 v20, v7  }
0x11c: {  	v4 =	vadd.f32 v39, v4;
	v5 =	vadd.f32 v10, v5;
	v10 =	vld [tilespmem:$0x6C60]  }
0x11d: {  	v7 =	vadd.f32 v15, v7;
	v6 =	vadd.f32 v9, v6;
	v9 =	vld [tilespmem:$0x6C70]  }
0x11e: {  	v4 =	vadd.f32 v21, v4;
	v5 =	vadd.f32 v8, v5;
	v8 =	vld [tilespmem:$0x6CE0]  }
0x11f: {  	v7 =	vadd.f32 v29, v7;
	v6 =	vadd.f32 v11, v6;
	v11 =	vld [tilespmem:$0x6CF0]  }
0x120: {  	v4 =	vadd.f32 v40, v4;
	v5 =	vadd.f32 v12, v5;
	v12 =	vld [tilespmem:$0x6D60]  }
0x121: {  	[tilespmem:$0x6D80] =	vst v3;
	v1 =	vadd.f32 v1, v7;
	v3 =	vadd.f32 v10, v6;
	v6 =	vld [tilespmem:$0x6D70]  }
0x122: {  	[tilespmem:$0x6D90] =	vst v31;
	v4 =	vadd.f32 v22, v4;
	v5 =	vadd.f32 v9, v5  }
0x123: {  	[tilespmem:$0x6DA0] =	vst v19;
	v0 =	vadd.f32 v0, v1;
	v1 =	vadd.f32 v8, v3  }
0x124: {  	[tilespmem:$0x6DB0] =	vst v2;
	v2 =	vadd.f32 v41, v4;
	v3 =	vadd.f32 v11, v5  }
0x125: {  	[tilespmem:$0x6DC0] =	vst v0;
	v0 =	vadd.f32 v12, v1  }
0x126: {  	[tilespmem:$0x6DD0] =	vst v2;
	v1 =	vadd.f32 v6, v3  }
0x127: {  	[tilespmem:$0x6DE0] =	vst v0  }
0x128: {  	s6 =	simm.s32 $0x6D80;
	[tilespmem:$0x6DF0] =	vst v1  }
0x129: {  	[spmem:s25] =	stream.linear.scatter [tilespmem:s6], [sflag:$0x4], $0x80, $0x38;
	[tilespmem:$0x7F10] =	vst v63  }
0x12a: {  	_ =	swait.ge [sflag:s31], $0x80  }
0x12b: {  	[sflag:s31] =	ssyncset.done $0x0  }
0x12c: {  	[sflag:s31] =	ssyncadd.s32 $0xFFFFFF80  }
0x12d: {  	[bflag:$0x0] =	sbarrier.arrive $0xFFFF  }
0x12e: {  	s7 =	rddreg [dreg:$0x2]  }
0x12f: {  	[tilespmem:s0], [sflag:$0x4] =	stream.linear.gather [spmem:s7], $0x800, $0x38;
	[tilespmem:$0x7F10] =	vst v63  }
0x130: {  	_ =	swait.ge [sflag:s31], $0x800  }
0x131: {  	[sflag:s31] =	ssyncset.done $0x0  }
0x132: {  	s6 =	simm.s32 $0x3200;
	[sflag:s31] =	ssyncadd.s32 $0xFFFFF800  }
0x133: {  	[tilespmem:s6], [sflag:$0x2] =	stream.linear.gather [hbm4b:s24+s3], $0x3200, $0x38;
	[tilespmem:$0x7F10] =	vst v63  }
0x134: {  	_ =	swait.ge [sflag:s30], $0x3200  }
0x135: {  	[sflag:s30] =	ssyncset.done $0x0  }
0x136: {  	s7 =	simm.s32 $0x0;
	[sflag:s30] =	ssyncadd.s32 $0xFFFFCE00  }
0x137: {  	v0 =	vld [tilespmem:s7+$0x70]  }
0x138: {  	v1 =	vld [tilespmem:s7+$0x0]  }
0x139: {  	v2 =	vld [tilespmem:s7+$0x10]  }
0x13a: {  	v3 =	vld [tilespmem:s7+$0x20]  }
0x13b: {  	v4 =	vld [tilespmem:s7+$0x30]  }
0x13c: {  	v5 =	vld [tilespmem:s7+$0x40]  }
0x13d: {  	v7 =	vld [tilespmem:s7+$0x60]  }
0x13e: {  	v6 =	vld [tilespmem:s7+$0x50]  }
0x13f: {  	v0 =	vld.idx.msk [tilespmem:v0+s0+$0x0], $0xffff  }
0x140: {  	v1 =	vld.idx.msk [tilespmem:v1+s0+$0x0], $0xffff  }
0x141: {  	v12 =	vld.idx.msk [tilespmem:v2+s0+$0x0], $0xffff  }
0x142: {  	v11 =	vld.idx.msk [tilespmem:v3+s0+$0x0], $0xffff  }
0x143: {  	v10 =	vld.idx.msk [tilespmem:v4+s0+$0x0], $0xffff  }
0x144: {  	v2 =	vimm.f32 $0.0e+00;
	v9 =	vld.idx.msk [tilespmem:v5+s0+$0x0], $0xffff;
	v4 =	vimm.f32 $0.0e+00  }
0x145: {  	v3 =	vimm.f32 $0.0e+00;
	v13 =	vld.idx.msk [tilespmem:v7+s0+$0x0], $0xffff;
	v7 =	vimm.f32 $0.0e+00;
	v5 =	vimm.f32 $0.0e+00  }
0x146: {  	s5 =	simm.s32 $0x400;
	s6 =	simm.s32 $0x80;
	v8 =	vld.idx.msk [tilespmem:v6+s0+$0x0], $0xffff;
	v6 =	vimm.f32 $0.0e+00;
	v0 =	vadd.f32 v0, v2;
	v1 =	vadd.f32 v1, v2  }
.LBB2_2:
0x147: {  	p1 =	sne.s32 s5, $0xC600;
	v14 =	vld [tilespmem:s6+$0x70];
	v2 =	vadd.f32 v12, v2  }
0x148: {  	v4 =	vadd.f32 v11, v4;
	v12 =	vld [tilespmem:s6+$0x0]  }
0x149: {  	v3 =	vadd.f32 v10, v3;
	v11 =	vld [tilespmem:s6+$0x10]  }
0x14a: {  	v7 =	vadd.f32 v9, v7;
	v10 =	vld [tilespmem:s6+$0x20]  }
0x14b: {  	v5 =	vadd.f32 v8, v5;
	v9 =	vld [tilespmem:s6+$0x30]  }
0x14c: {  	v6 =	vadd.f32 v13, v6;
	v8 =	vld [tilespmem:s6+$0x40]  }
0x14d: {  	v13 =	vld [tilespmem:s6+$0x50]  }
0x14e: {  	v15 =	vld [tilespmem:s6+$0x60]  }
0x14f: {  	v14 =	vld.idx.msk [tilespmem:v14+s0+$0x0], $0xffff  }
0x150: {  	v16 =	vld.idx.msk [tilespmem:v12+s0+$0x0], $0xffff  }
0x151: {  	v12 =	vld.idx.msk [tilespmem:v11+s0+$0x0], $0xffff  }
.Ltmp0:
0x152: {  	v11 =	vld.idx.msk [tilespmem:v10+s0+$0x0], $0xffff;
	(pc) =	sbr.rel @p1 .LBB2_2-.Ltmp0, $4  }
0x153: {  	v10 =	vld.idx.msk [tilespmem:v9+s0+$0x0], $0xffff  }
0x154: {  	v9 =	vld.idx.msk [tilespmem:v8+s0+$0x0], $0xffff  }
0x155: {  	v0 =	vadd.f32 v14, v0;
	v8 =	vld.idx.msk [tilespmem:v13+s0+$0x0], $0xffff  }
0x156: {  	s6 =	sshra.s32 s5, $0x2;
	s5 =	sadd.s32 $0x200, s5;
	v1 =	vadd.f32 v16, v1;
	v13 =	vld.idx.msk [tilespmem:v15+s0+$0x0], $0xffff  }
0x157: {  	v14 =	vld [tilespmem:s6+$0x70]  }
0x158: {  	v15 =	vld [tilespmem:s6+$0x0]  }
0x159: {  	v16 =	vld [tilespmem:s6+$0x10]  }
0x15a: {  	v17 =	vld [tilespmem:s6+$0x20]  }
0x15b: {  	v18 =	vld [tilespmem:s6+$0x30]  }
0x15c: {  	v19 =	vld [tilespmem:s6+$0x40]  }
0x15d: {  	v20 =	vld [tilespmem:s6+$0x50]  }
0x15e: {  	v21 =	vld [tilespmem:s6+$0x60]  }
0x15f: {  	v14 =	vld.idx.msk [tilespmem:v14+s0+$0x0], $0xffff  }
0x160: {  	v15 =	vld.idx.msk [tilespmem:v15+s0+$0x0], $0xffff  }
0x161: {  	v16 =	vld.idx.msk [tilespmem:v16+s0+$0x0], $0xffff  }
0x162: {  	v17 =	vld.idx.msk [tilespmem:v17+s0+$0x0], $0xffff  }
0x163: {  	v18 =	vld.idx.msk [tilespmem:v18+s0+$0x0], $0xffff  }
0x164: {  	v19 =	vld.idx.msk [tilespmem:v19+s0+$0x0], $0xffff  }
0x165: {  	v20 =	vld.idx.msk [tilespmem:v20+s0+$0x0], $0xffff  }
0x166: {  	v21 =	vld.idx.msk [tilespmem:v21+s0+$0x0], $0xffff;
	_ =	swait.ge [sflag:s1], $0x3200  }
0x167: {  	[sflag:s1] =	ssyncset.done $0x0  }
0x168: {  	s5 =	simm.s32 $0x0;
	[sflag:s1] =	ssyncadd.s32 $0xFFFFCE00  }
0x169: {  	v22 =	vld [tilespmem:s5+$0x3270]  }
0x16a: {  	v23 =	vld [tilespmem:s5+$0x3200]  }
0x16b: {  	v24 =	vld [tilespmem:s5+$0x3210]  }
0x16c: {  	v25 =	vld [tilespmem:s5+$0x3220]  }
0x16d: {  	v26 =	vld [tilespmem:s5+$0x3230]  }
0x16e: {  	v27 =	vld [tilespmem:s5+$0x3240]  }
0x16f: {  	v28 =	vld [tilespmem:s5+$0x3250]  }
0x170: {  	v29 =	vld [tilespmem:s5+$0x3260]  }
0x171: {  	v2 =	vadd.f32 v12, v2;
	v4 =	vadd.f32 v11, v4;
	v11 =	vld.idx.msk [tilespmem:v22+s0+$0x0], $0xffff  }
0x172: {  	v3 =	vadd.f32 v10, v3;
	v7 =	vadd.f32 v9, v7;
	v62 =	vld.idx.msk [tilespmem:v23+s0+$0x0], $0xffff  }
0x173: {  	v8 =	vadd.f32 v8, v5;
	v63 =	vadd.f32 v13, v6;
	v12 =	vld.idx.msk [tilespmem:v24+s0+$0x0], $0xffff  }
0x174: {  	v0 =	vadd.f32 v14, v0;
	v14 =	vadd.f32 v15, v1;
	v13 =	vld.idx.msk [tilespmem:v25+s0+$0x0], $0xffff  }
0x175: {  	v6 =	vadd.f32 v16, v2;
	v5 =	vadd.f32 v17, v4;
	v10 =	vld.idx.msk [tilespmem:v26+s0+$0x0], $0xffff  }
0x176: {  	v4 =	vadd.f32 v18, v3;
	v3 =	vadd.f32 v19, v7;
	v9 =	vld.idx.msk [tilespmem:v27+s0+$0x0], $0xffff  }
0x177: {  	v2 =	vadd.f32 v20, v8;
	v1 =	vadd.f32 v21, v63;
	v8 =	vld.idx.msk [tilespmem:v28+s0+$0x0], $0xffff  }
0x178: {  	s6 =	simm.s32 $0x80;
	s5 =	simm.s32 $0x400;
	v0 =	vadd.f32 v11, v0;
	v7 =	vadd.f32 v62, v14;
	v11 =	vld.idx.msk [tilespmem:v29+s0+$0x0], $0xffff  }
.LBB2_4:
0x179: {  	p1 =	sne.s32 s5, $0xC600;
	v14 =	vld [tilespmem:s6+$0x3270];
	v6 =	vadd.f32 v12, v6  }
0x17a: {  	v5 =	vadd.f32 v13, v5;
	v12 =	vld [tilespmem:s6+$0x3200]  }
0x17b: {  	v4 =	vadd.f32 v10, v4;
	v13 =	vld [tilespmem:s6+$0x3210]  }
0x17c: {  	v3 =	vadd.f32 v9, v3;
	v10 =	vld [tilespmem:s6+$0x3220]  }
0x17d: {  	v2 =	vadd.f32 v8, v2;
	v9 =	vld [tilespmem:s6+$0x3230]  }
0x17e: {  	v1 =	vadd.f32 v11, v1;
	v8 =	vld [tilespmem:s6+$0x3240]  }
0x17f: {  	v11 =	vld [tilespmem:s6+$0x3250]  }
0x180: {  	v15 =	vld [tilespmem:s6+$0x3260]  }
0x181: {  	v14 =	vld.idx.msk [tilespmem:v14+s0+$0x0], $0xffff  }
0x182: {  	v16 =	vld.idx.msk [tilespmem:v12+s0+$0x0], $0xffff  }
0x183: {  	v12 =	vld.idx.msk [tilespmem:v13+s0+$0x0], $0xffff  }
.Ltmp1:
0x184: {  	v13 =	vld.idx.msk [tilespmem:v10+s0+$0x0], $0xffff;
	(pc) =	sbr.rel @p1 .LBB2_4-.Ltmp1, $4  }
0x185: {  	v10 =	vld.idx.msk [tilespmem:v9+s0+$0x0], $0xffff  }
0x186: {  	v9 =	vld.idx.msk [tilespmem:v8+s0+$0x0], $0xffff  }
0x187: {  	v0 =	vadd.f32 v14, v0;
	v8 =	vld.idx.msk [tilespmem:v11+s0+$0x0], $0xffff  }
0x188: {  	s6 =	sshra.s32 s5, $0x2;
	s5 =	sadd.s32 $0x200, s5;
	v7 =	vadd.f32 v16, v7;
	v11 =	vld.idx.msk [tilespmem:v15+s0+$0x0], $0xffff  }
0x189: {  	v14 =	vld [tilespmem:s6+$0x3200]  }
0x18a: {  	v15 =	vld [tilespmem:s6+$0x3210];
	_ =	sdelay $0x1  }
0x18b: {  	v16 =	vld [tilespmem:s6+$0x3220];
	_ =	sdelay $0x1  }
0x18c: {  	v17 =	vld [tilespmem:s6+$0x3230]  }
0x18d: {  	v18 =	vld [tilespmem:s6+$0x3240]  }
0x18e: {  	v19 =	vld [tilespmem:s6+$0x3250]  }
0x18f: {  	v14 =	vld.idx.msk [tilespmem:v14+s0+$0x0], $0xffff  }
0x190: {  	v15 =	vld.idx.msk [tilespmem:v15+s0+$0x0], $0xffff  }
0x191: {  	v20 =	vld [tilespmem:s6+$0x3260]  }
0x192: {  	v16 =	vld.idx.msk [tilespmem:v16+s0+$0x0], $0xffff  }
0x193: {  	v6 =	vadd.f32 v12, v6;
	v58 =	vld [tilespmem:s6+$0x3270]  }
0x194: {  	v5 =	vadd.f32 v13, v5;
	v59 =	vld.idx.msk [tilespmem:v17+s0+$0x0], $0xffff  }
0x195: {  	v7 =	vadd.f32 v14, v7;
	v6 =	vadd.f32 v15, v6  }
0x196: {  	v4 =	vadd.f32 v10, v4;
	v60 =	vld.idx.msk [tilespmem:v18+s0+$0x0], $0xffff  }
0x197: {  	v5 =	vadd.f32 v16, v5;
	v6 =	vadd.f32 v6, v7  }
0x198: {  	v3 =	vadd.f32 v9, v3;
	v61 =	vld.idx.msk [tilespmem:v19+s0+$0x0], $0xffff  }
0x199: {  	v4 =	vadd.f32 v59, v4;
	v5 =	vadd.f32 v5, v6  }
0x19a: {  	v2 =	vadd.f32 v8, v2;
	v62 =	vld.idx.msk [tilespmem:v20+s0+$0x0], $0xffff  }
0x19b: {  	v3 =	vadd.f32 v60, v3;
	v4 =	vadd.f32 v4, v5  }
0x19c: {  	v1 =	vadd.f32 v11, v1;
	v63 =	vld.idx.msk [tilespmem:v58+s0+$0x0], $0xffff  }
0x19d: {  	v2 =	vadd.f32 v61, v2;
	v3 =	vadd.f32 v3, v4;
	_ =	sdelay $0x1  }
0x19e: {  	v1 =	vadd.f32 v62, v1;
	v2 =	vadd.f32 v2, v3;
	_ =	sdelay $0x1  }
0x19f: {  	v0 =	vadd.f32 v63, v0;
	v1 =	vadd.f32 v1, v2;
	_ =	sdelay $0x1  }
0x1a0: {  	v0 =	vadd.f32 v0, v1;
	_ =	sdelay $0x1  }
0x1a1: {  	s5 =	simm.s32 $0x7600;
	[tilespmem:$0x7600] =	vst v0  }
0x1a2: {  	[spmem:s26] =	stream.linear.scatter [tilespmem:s5], [sflag:$0x4], $0x80, $0x38;
	[tilespmem:$0x7F10] =	vst v63  }
0x1a3: {  	_ =	swait.ge [sflag:s31], $0x80  }
0x1a4: {  	[sflag:s31] =	ssyncset.done $0x0  }
0x1a5: {  	[sflag:s31] =	ssyncadd.s32 $0xFFFFFF80  }
0x1a6: {  	[bflag:$0x0] =	sbarrier.arrive $0xFFFF  }
0x1a7: {  	s5 =	simm.s32 @!p0 $0x7680;
	s6 =	rddreg [dreg:$0x1]  }
0x1a8: {  	[tilespmem:s5], [sflag:$0x4] =	stream.linear.gather @!p0 [spmem:s6], $0x800, $0x38;
	[tilespmem:$0x7F10] =	vst v63  }
0x1a9: {  	s5 =	simm.s32 @!p0 $0x4  }
0x1aa: {  	_ =	swait.ge @!p0 [sflag:s5], $0x800  }
0x1ab: {  	[sflag:s5] =	ssyncset.done @!p0 $0x0  }
0x1ac: {  	[sflag:s5] =	ssyncadd.s32 @!p0 $0xFFFFF800  }
0x1ad: {  	v0 =	vld @!p0 [tilespmem:$0x7680]  }
0x1ae: {  	v1 =	vld @!p0 [tilespmem:$0x7700];
	_ =	sdelay $0x1  }
0x1af: {  	v2 =	vld @!p0 [tilespmem:$0x7780];
	_ =	sdelay $0x1  }
0x1b0: {  	v3 =	vld @!p0 [tilespmem:$0x7800]  }
0x1b1: {  	v0 =	vadd.f32 @!p0 v1, v0  }
0x1b2: {  	v1 =	vld @!p0 [tilespmem:$0x7880]  }
0x1b3: {  	v0 =	vadd.f32 @!p0 v2, v0  }
0x1b4: {  	v2 =	vld @!p0 [tilespmem:$0x7900]  }
0x1b5: {  	v0 =	vadd.f32 @!p0 v3, v0  }
0x1b6: {  	v3 =	vld @!p0 [tilespmem:$0x7980]  }
0x1b7: {  	v0 =	vadd.f32 @!p0 v1, v0  }
0x1b8: {  	v1 =	vld @!p0 [tilespmem:$0x7A00]  }
0x1b9: {  	v0 =	vadd.f32 @!p0 v2, v0  }
0x1ba: {  	v2 =	vld @!p0 [tilespmem:$0x7A80]  }
0x1bb: {  	v0 =	vadd.f32 @!p0 v3, v0  }
0x1bc: {  	v3 =	vld @!p0 [tilespmem:$0x7B00]  }
0x1bd: {  	v0 =	vadd.f32 @!p0 v1, v0  }
0x1be: {  	v1 =	vld @!p0 [tilespmem:$0x7B80]  }
0x1bf: {  	v0 =	vadd.f32 @!p0 v2, v0  }
0x1c0: {  	v2 =	vld @!p0 [tilespmem:$0x7C00]  }
0x1c1: {  	v0 =	vadd.f32 @!p0 v3, v0  }
0x1c2: {  	v3 =	vld @!p0 [tilespmem:$0x7C80]  }
0x1c3: {  	v0 =	vadd.f32 @!p0 v1, v0  }
0x1c4: {  	v1 =	vld @!p0 [tilespmem:$0x7D00]  }
0x1c5: {  	v0 =	vadd.f32 @!p0 v2, v0  }
0x1c6: {  	v2 =	vld @!p0 [tilespmem:$0x7D80]  }
0x1c7: {  	v0 =	vadd.f32 @!p0 v3, v0  }
0x1c8: {  	v3 =	vld @!p0 [tilespmem:$0x7E00]  }
0x1c9: {  	v0 =	vadd.f32 @!p0 v1, v0;
	_ =	sdelay $0x1  }
0x1ca: {  	v0 =	vadd.f32 @!p0 v2, v0;
	_ =	sdelay $0x1  }
0x1cb: {  	s4 =	sadd.s32 $0x1, s4;
	v0 =	vadd.f32 @!p0 v3, v0  }
0x1cc: {  	p1 =	sne.s32 s4, s29  }
.Ltmp2:
0x1cd: {  	s7 =	simm.s32 @!p0 $0x7600;
	s6 =	simm.s32 @!p0 $0x0;
	[tilespmem:$0x7600] =	vst @!p0 v0;
	(pc) =	sbr.rel @p1 .LBB2_1-.Ltmp2, $4  }
0x1ce: {  	[hbm4b:s28+s6] =	stream.linear.scatter @!p0 [tilespmem:s7], [sflag:$0x4], $0x80, $0x38;
	[tilespmem:$0x7F10] =	vst v63  }
0x1cf: {  	_ =	swait.ge @!p0 [sflag:s5], $0x80  }
0x1d0: {  	[sflag:s5] =	ssyncset.done @!p0 $0x0  }
0x1d1: {  	[sflag:s5] =	ssyncadd.s32 @!p0 $0xFFFFFF80  }
0x1d2: {  	_ =	sfence.sel $0x180000  }
0x1d3: {  	[bflag:$0x0] =	sbarrier.arrive $0xFFFF  }
0x1d4: {  	_ =	strace $0x90000047  }
0x1d5: {  	[bflag:$0x2] =	sbarrier.arrive $0xFFFF  }
0x1d6: {  	s0 =	rddreg [dreg:$0x3]  }
0x1d7: {  	s0 =	sadd.s32 @!p0 $0x100000, s0  }
0x1d8: {  	[sflag:s0] =	ssyncadd.tile.s32 @!p0 $0x1;
	_ =	shalt  }
.Lfunc_end2:
_tile_overlayer_lowered:
.L_overlay_start_2:
0x1d9: {  	(tag) =	ssettag $0x2  }
0x1da: {  	s0 =	rddreg [dreg:$0x0];
	s2 =	stileid.u32  }
0x1db: {  	s1 =	rddreg [dreg:$0x1];
	p0 =	sne.s32 s2, $0x0  }
0x1dc: {  	s3 =	rddreg [dreg:$0x2];
	[bflag:$0x3] =	sbarrier.arrive $0xFFFF;
	s2 =	simm.s32 @!p0 $0x1C04  }
0x1dd: {  	[timem:s3], [sflag:s2] =	dma.local @!p0 [hbm:s0], s1  }
0x1de: {  	s0 =	simm.s32 @!p0 $0x4  }
0x1df: {  	_ =	swait.ge @!p0 [sflag:s0], s1  }
0x1e0: {  	s1 =	ssub.s32 @!p0 $0x0, s1;
	[sflag:s0] =	ssyncset.done @!p0 $0x0  }
0x1e1: {  	[sflag:s0] =	ssyncadd.s32 @!p0 s1  }
0x1e2: {  	[bflag:$0x3] =	sbarrier.arrive $0xFFFF  }
0x1e3: {  	_ =	shalt  }

</sc_bundles>
